<compile_context>
chip_gen: v7x
topology: tpu7x:2x2x1
jax: 0.10.2.dev20260603
libtpu: 0.0.44.dev20260713+nightly
codegen_flags: <defaults>
</compile_context>

<pallas_src>
import functools
import jax
import jax.numpy as jnp
from jax import lax
from jax.experimental import pallas as pl
from jax.experimental.pallas import tpu as pltpu
from jax.experimental.pallas import tpu_sc as plsc

D_MODEL = 64
DPAD = 128
SCALE = 8.0

NC = 2
NS = 16
NW = NC * NS
LANES = 16

SEQ = 200
SPLIT = 128
NBUF = 3


def _scale_buf(buf):
    @plsc.parallel_loop(0, SEQ, unroll=4)
    def _(r):
        for k in range(D_MODEL // LANES):
            sl = pl.ds(k * LANES, LANES)
            buf[r, sl] = buf[r, sl] * SCALE


def _emb_body(rows_per_w, x_hbm, table_hbm, out_hbm, idx_v, *bufs_and_sems):
    rows = bufs_and_sems[:NBUF]
    gsem = bufs_and_sems[NBUF:2 * NBUF]
    ssem = bufs_and_sems[2 * NBUF:3 * NBUF]

    wid = lax.axis_index("s") * NC + lax.axis_index("c")
    row0 = wid * rows_per_w
    pltpu.sync_copy(x_hbm.at[pl.ds(row0, rows_per_w)], idx_v)

    def gathers(i, b):
        pltpu.async_copy(
            table_hbm.at[idx_v.at[i, pl.ds(0, SPLIT)]],
            rows[b].at[pl.ds(0, SPLIT)], gsem[b])
        pltpu.async_copy(
            table_hbm.at[idx_v.at[i, pl.ds(SPLIT, SEQ - SPLIT)]],
            rows[b].at[pl.ds(SPLIT, SEQ - SPLIT)], gsem[b])

    def wait_gathers(i, b):
        pltpu.make_async_copy(
            table_hbm.at[idx_v.at[i, pl.ds(0, SPLIT)]],
            rows[b].at[pl.ds(0, SPLIT)], gsem[b]).wait()
        pltpu.make_async_copy(
            table_hbm.at[idx_v.at[i, pl.ds(SPLIT, SEQ - SPLIT)]],
            rows[b].at[pl.ds(SPLIT, SEQ - SPLIT)], gsem[b]).wait()

    def fire_scatter(i, b):
        pltpu.async_copy(
            rows[b].at[:, pl.ds(0, D_MODEL)],
            out_hbm.at[row0 + i, :, pl.ds(0, D_MODEL)], ssem[b])

    def drain_scatter(b):
        pltpu.make_async_copy(
            rows[b].at[:, pl.ds(0, D_MODEL)],
            out_hbm.at[row0, :, pl.ds(0, D_MODEL)], ssem[b]).wait()

    def process(i, b):
        wait_gathers(i, b)
        _scale_buf(rows[b])
        fire_scatter(i, b)

    gathers(0, 0)
    gathers(1, 1)
    process(0, 0)
    gathers(2, 2)
    for i in (1, 2):
        process(i, i % NBUF)
        drain_scatter((i + 2) % NBUF)
        gathers(i + 2, (i + 2) % NBUF)

    def outer(io, _):
        i0 = 3 + io * NBUF
        for t in range(NBUF):
            i = i0 + t
            b = t
            wait_gathers(i, b)
            _scale_buf(rows[b])
            fire_scatter(i, b)
            bn = (b + 2) % NBUF
            drain_scatter(bn)
            gathers(i + 2, bn)
        return ()

    lax.fori_loop(0, (rows_per_w - 5) // NBUF, outer, ())

    for i in (rows_per_w - 2, rows_per_w - 1):
        process(i, i % NBUF)
    for i in (rows_per_w - 3, rows_per_w - 2, rows_per_w - 1):
        drain_scatter(i % NBUF)


def kernel(x, table):
    n_seq, seq = x.shape
    assert seq == SEQ
    assert n_seq % NW == 0
    rows_per_w = n_seq // NW
    assert (rows_per_w - 5) % NBUF == 0

    t128 = jnp.pad(table, ((0, 0), (0, DPAD - D_MODEL)))

    mesh = plsc.VectorSubcoreMesh(
        core_axis_name="c", subcore_axis_name="s", num_cores=NC, num_subcores=NS
    )
    run = pl.kernel(
        functools.partial(_emb_body, rows_per_w),
        out_type=jax.ShapeDtypeStruct((n_seq, seq, DPAD), jnp.float32),
        mesh=mesh,
        scratch_types=(
            [pltpu.VMEM((rows_per_w, SEQ), jnp.int32)]
            + [pltpu.VMEM((SEQ, DPAD), jnp.float32) for _ in range(NBUF)]
            + [pltpu.SemaphoreType.DMA for _ in range(2 * NBUF)]
        ),
        compiler_params=pltpu.CompilerParams(use_tc_tiling_on_sc=False),
    )
    out128 = run(x, t128)
    return out128[:, :, :D_MODEL]

# --- scband reference (transcript-rebuilt; emitter-appended) ---
"""Pipeline reference for scband-input-embeddings-1778116461288 (READ-ONLY COPY).

The authoritative reference and input builder live on the scoring server;
editing this copy changes nothing except your own understanding.
"""

import jax, jax.numpy as jnp
import numpy as np
import math

D_MODEL = 64
VOCAB_SIZE = 1000000

def setup_inputs(seed: int = 0) -> dict:
    key = jax.random.key(seed)
    k1, k2 = jax.random.split(key)
    x = jax.random.randint(k1, (4096, 200), 0, VOCAB_SIZE, dtype=jnp.int64 if jax.config.jax_enable_x64 else jnp.int32)
    table = jax.random.normal(k2, (VOCAB_SIZE, D_MODEL), dtype=jnp.float32)
    return {"x": x, "table": table}

def reference(x, table):
    # nn.Embedding lookup followed by scaling by sqrt(d_model)
    emb = jnp.take(table, x, axis=0)
    return emb * math.sqrt(D_MODEL)

if __name__ == "__main__":
    import jax
    _d = setup_inputs()
    print(jax.jit(kernel)(*tuple(_d.values())))

</pallas_src>

<mosaic_0001>
#map = affine_map<(d0, d1) -> (0, 0)>
#map1 = affine_map<(d0, d1) -> (0, 0, 0)>
module attributes {stable_mosaic.version = 14 : i64} {
  func.func @_emb_body(%arg0: i32, %arg1: i32, %arg2: memref<4096x200xi32, #tpu.memory_space<hbm>>, %arg3: memref<1000000x128xf32, #tpu.memory_space<hbm>>, %arg4: memref<4096x200x128xf32, #tpu.memory_space<hbm>>, %arg5: memref<128x200xi32, #tpu.memory_space<vmem>>, %arg6: memref<200x128xf32, #tpu.memory_space<vmem>>, %arg7: memref<200x128xf32, #tpu.memory_space<vmem>>, %arg8: memref<200x128xf32, #tpu.memory_space<vmem>>, %arg9: memref<!tpu.dma_semaphore, #tpu.memory_space<semaphore_mem>>, %arg10: memref<!tpu.dma_semaphore, #tpu.memory_space<semaphore_mem>>, %arg11: memref<!tpu.dma_semaphore, #tpu.memory_space<semaphore_mem>>, %arg12: memref<!tpu.dma_semaphore, #tpu.memory_space<semaphore_mem>>, %arg13: memref<!tpu.dma_semaphore, #tpu.memory_space<semaphore_mem>>, %arg14: memref<!tpu.dma_semaphore, #tpu.memory_space<semaphore_mem>>) attributes {dimension_semantics = [#tpu.dimension_semantics<core_parallel>, #tpu.dimension_semantics<subcore_parallel>], iteration_bounds = array<i64: 2, 16>, scalar_prefetch = 0 : i64, scratch_operands = 10 : i64, tpu.core_type = #tpu.core_type<sc_vector_subcore>, window_params = [{transform_indices = #map}, {transform_indices = #map}, {transform_indices = #map1}]} {
    %mul3A = arith.constant 2 : i32
    %mul3A_0 = arith.muli %arg1, %mul3A : i32
    %add3A = arith.addi %mul3A_0, %arg0 : i32
    %mul3A_1 = arith.constant 128 : i32
    %mul3A_2 = arith.muli %add3A, %mul3A_1 : i32
    "tpu.region"() ({
      %run_scoped3A = tpu.sem_alloc : memref<!tpu.dma_semaphore, #tpu.memory_space<semaphore_mem>>
      %dma_start3A_369 = arith.constant 0 : i32
      %dma_start3A_370 = tpu.memref_slice %arg2[%mul3A_2, %dma_start3A_369] : memref<4096x200xi32, #tpu.memory_space<hbm>> -> memref<128x200xi32, #tpu.memory_space<hbm>>
      %dma_start3A_371 = arith.constant 0 : i32
      %dma_start3A_372 = tpu.memref_slice %arg2[%mul3A_2, %dma_start3A_371] : memref<4096x200xi32, #tpu.memory_space<hbm>> -> memref<128x200xi32, #tpu.memory_space<hbm>>
      tpu.enqueue_dma source(%dma_start3A_372 : memref<128x200xi32, #tpu.memory_space<hbm>>) target(%arg5 : memref<128x200xi32, #tpu.memory_space<vmem>>) target_semaphore(%run_scoped3A : memref<!tpu.dma_semaphore, #tpu.memory_space<semaphore_mem>>)
      %dma_wait3A_373 = arith.constant 0 : i32
      %dma_wait3A_374 = tpu.memref_slice %arg2[%mul3A_2, %dma_wait3A_373] : memref<4096x200xi32, #tpu.memory_space<hbm>> -> memref<128x200xi32, #tpu.memory_space<hbm>>
      %dma_wait3A_375 = arith.constant 0 : i32
      %dma_wait3A_376 = tpu.memref_slice %arg2[%mul3A_2, %dma_wait3A_375] : memref<4096x200xi32, #tpu.memory_space<hbm>> -> memref<128x200xi32, #tpu.memory_space<hbm>>
      tpu.wait_dma2 semaphore(%run_scoped3A : memref<!tpu.dma_semaphore, #tpu.memory_space<semaphore_mem>>) src(%dma_wait3A_376 : memref<128x200xi32, #tpu.memory_space<hbm>>) dst(%arg5 : memref<128x200xi32, #tpu.memory_space<vmem>>)
      tpu.yield
    }) : () -> ()
    %dma_start3A = arith.constant 0 : i32
    %dma_start3A_3 = arith.constant 0 : i32
    %dma_start3A_4 = arith.constant 0 : i32
    %dma_start3A_5 = tpu.memref_slice %arg6[%dma_start3A_3, %dma_start3A_4] : memref<200x128xf32, #tpu.memory_space<vmem>> -> memref<128x128xf32, #tpu.memory_space<vmem>>
    %dma_start3A_6 = arith.constant 0 : i32
    %dma_start3A_7 = tpu.memref_slice %arg5[%dma_start3A, %dma_start3A_6] : memref<128x200xi32, #tpu.memory_space<vmem>> -> memref<1x128xi32, #tpu.memory_space<vmem>>
    %dma_start3A_8 = tpu.memref_squeeze %dma_start3A_7 : memref<1x128xi32, #tpu.memory_space<vmem>> -> memref<128xi32, #tpu.memory_space<vmem>>
    %dma_start3A_9 = arith.constant 0 : i32
    %dma_start3A_10 = arith.constant 0 : i32
    %dma_start3A_11 = tpu.memref_slice %arg3[%dma_start3A_9, %dma_start3A_10] : memref<1000000x128xf32, #tpu.memory_space<hbm>> -> memref<1000000x128xf32, #tpu.memory_space<hbm>>
    tpu.enqueue_indirect_dma source(%dma_start3A_11 : memref<1000000x128xf32, #tpu.memory_space<hbm>>) target(%dma_start3A_5 : memref<128x128xf32, #tpu.memory_space<vmem>>) offsets(%dma_start3A_8 : memref<128xi32, #tpu.memory_space<vmem>>) semaphore(%arg9 : memref<!tpu.dma_semaphore, #tpu.memory_space<semaphore_mem>>)
    %dma_start3A_12 = arith.constant 0 : i32
    %dma_start3A_13 = arith.constant 128 : i32
    %dma_start3A_14 = arith.constant 0 : i32
    %dma_start3A_15 = tpu.memref_slice %arg6[%dma_start3A_13, %dma_start3A_14] : memref<200x128xf32, #tpu.memory_space<vmem>> -> memref<72x128xf32, #tpu.memory_space<vmem>>
    %dma_start3A_16 = arith.constant 128 : i32
    %dma_start3A_17 = tpu.memref_slice %arg5[%dma_start3A_12, %dma_start3A_16] : memref<128x200xi32, #tpu.memory_space<vmem>> -> memref<1x72xi32, #tpu.memory_space<vmem>>
    %dma_start3A_18 = tpu.memref_squeeze %dma_start3A_17 : memref<1x72xi32, #tpu.memory_space<vmem>> -> memref<72xi32, #tpu.memory_space<vmem>>
    %dma_start3A_19 = arith.constant 0 : i32
    %dma_start3A_20 = arith.constant 0 : i32
    %dma_start3A_21 = tpu.memref_slice %arg3[%dma_start3A_19, %dma_start3A_20] : memref<1000000x128xf32, #tpu.memory_space<hbm>> -> memref<1000000x128xf32, #tpu.memory_space<hbm>>
    tpu.enqueue_indirect_dma source(%dma_start3A_21 : memref<1000000x128xf32, #tpu.memory_space<hbm>>) target(%dma_start3A_15 : memref<72x128xf32, #tpu.memory_space<vmem>>) offsets(%dma_start3A_18 : memref<72xi32, #tpu.memory_space<vmem>>) semaphore(%arg9 : memref<!tpu.dma_semaphore, #tpu.memory_space<semaphore_mem>>)
    %dma_start3A_22 = arith.constant 1 : i32
    %dma_start3A_23 = arith.constant 0 : i32
    %dma_start3A_24 = arith.constant 0 : i32
    %dma_start3A_25 = tpu.memref_slice %arg7[%dma_start3A_23, %dma_start3A_24] : memref<200x128xf32, #tpu.memory_space<vmem>> -> memref<128x128xf32, #tpu.memory_space<vmem>>
    %dma_start3A_26 = arith.constant 0 : i32
    %dma_start3A_27 = tpu.memref_slice %arg5[%dma_start3A_22, %dma_start3A_26] : memref<128x200xi32, #tpu.memory_space<vmem>> -> memref<1x128xi32, #tpu.memory_space<vmem>>
    %dma_start3A_28 = tpu.memref_squeeze %dma_start3A_27 : memref<1x128xi32, #tpu.memory_space<vmem>> -> memref<128xi32, #tpu.memory_space<vmem>>
    %dma_start3A_29 = arith.constant 0 : i32
    %dma_start3A_30 = arith.constant 0 : i32
    %dma_start3A_31 = tpu.memref_slice %arg3[%dma_start3A_29, %dma_start3A_30] : memref<1000000x128xf32, #tpu.memory_space<hbm>> -> memref<1000000x128xf32, #tpu.memory_space<hbm>>
    tpu.enqueue_indirect_dma source(%dma_start3A_31 : memref<1000000x128xf32, #tpu.memory_space<hbm>>) target(%dma_start3A_25 : memref<128x128xf32, #tpu.memory_space<vmem>>) offsets(%dma_start3A_28 : memref<128xi32, #tpu.memory_space<vmem>>) semaphore(%arg10 : memref<!tpu.dma_semaphore, #tpu.memory_space<semaphore_mem>>)
    %dma_start3A_32 = arith.constant 1 : i32
    %dma_start3A_33 = arith.constant 128 : i32
    %dma_start3A_34 = arith.constant 0 : i32
    %dma_start3A_35 = tpu.memref_slice %arg7[%dma_start3A_33, %dma_start3A_34] : memref<200x128xf32, #tpu.memory_space<vmem>> -> memref<72x128xf32, #tpu.memory_space<vmem>>
    %dma_start3A_36 = arith.constant 128 : i32
    %dma_start3A_37 = tpu.memref_slice %arg5[%dma_start3A_32, %dma_start3A_36] : memref<128x200xi32, #tpu.memory_space<vmem>> -> memref<1x72xi32, #tpu.memory_space<vmem>>
    %dma_start3A_38 = tpu.memref_squeeze %dma_start3A_37 : memref<1x72xi32, #tpu.memory_space<vmem>> -> memref<72xi32, #tpu.memory_space<vmem>>
    %dma_start3A_39 = arith.constant 0 : i32
    %dma_start3A_40 = arith.constant 0 : i32
    %dma_start3A_41 = tpu.memref_slice %arg3[%dma_start3A_39, %dma_start3A_40] : memref<1000000x128xf32, #tpu.memory_space<hbm>> -> memref<1000000x128xf32, #tpu.memory_space<hbm>>
    tpu.enqueue_indirect_dma source(%dma_start3A_41 : memref<1000000x128xf32, #tpu.memory_space<hbm>>) target(%dma_start3A_35 : memref<72x128xf32, #tpu.memory_space<vmem>>) offsets(%dma_start3A_38 : memref<72xi32, #tpu.memory_space<vmem>>) semaphore(%arg10 : memref<!tpu.dma_semaphore, #tpu.memory_space<semaphore_mem>>)
    %dma_wait3A = arith.constant 0 : i32
    %dma_wait3A_42 = arith.constant 0 : i32
    %dma_wait3A_43 = arith.constant 0 : i32
    %dma_wait3A_44 = tpu.memref_slice %arg6[%dma_wait3A_42, %dma_wait3A_43] : memref<200x128xf32, #tpu.memory_space<vmem>> -> memref<128x128xf32, #tpu.memory_space<vmem>>
    %dma_wait3A_45 = arith.constant 0 : i32
    %dma_wait3A_46 = tpu.memref_slice %arg5[%dma_wait3A, %dma_wait3A_45] : memref<128x200xi32, #tpu.memory_space<vmem>> -> memref<1x128xi32, #tpu.memory_space<vmem>>
    %dma_wait3A_47 = tpu.memref_squeeze %dma_wait3A_46 : memref<1x128xi32, #tpu.memory_space<vmem>> -> memref<128xi32, #tpu.memory_space<vmem>>
    %dma_wait3A_48 = arith.constant 0 : i32
    %dma_wait3A_49 = arith.constant 0 : i32
    %dma_wait3A_50 = tpu.memref_slice %arg3[%dma_wait3A_48, %dma_wait3A_49] : memref<1000000x128xf32, #tpu.memory_space<hbm>> -> memref<1000000x128xf32, #tpu.memory_space<hbm>>
    tpu.wait_indirect_dma semaphore(%arg9 : memref<!tpu.dma_semaphore, #tpu.memory_space<semaphore_mem>>) src(%dma_wait3A_50 : memref<1000000x128xf32, #tpu.memory_space<hbm>>) dst(%dma_wait3A_44 : memref<128x128xf32, #tpu.memory_space<vmem>>)
    %dma_wait3A_51 = arith.constant 0 : i32
    %dma_wait3A_52 = arith.constant 128 : i32
    %dma_wait3A_53 = arith.constant 0 : i32
    %dma_wait3A_54 = tpu.memref_slice %arg6[%dma_wait3A_52, %dma_wait3A_53] : memref<200x128xf32, #tpu.memory_space<vmem>> -> memref<72x128xf32, #tpu.memory_space<vmem>>
    %dma_wait3A_55 = arith.constant 128 : i32
    %dma_wait3A_56 = tpu.memref_slice %arg5[%dma_wait3A_51, %dma_wait3A_55] : memref<128x200xi32, #tpu.memory_space<vmem>> -> memref<1x72xi32, #tpu.memory_space<vmem>>
    %dma_wait3A_57 = tpu.memref_squeeze %dma_wait3A_56 : memref<1x72xi32, #tpu.memory_space<vmem>> -> memref<72xi32, #tpu.memory_space<vmem>>
    %dma_wait3A_58 = arith.constant 0 : i32
    %dma_wait3A_59 = arith.constant 0 : i32
    %dma_wait3A_60 = tpu.memref_slice %arg3[%dma_wait3A_58, %dma_wait3A_59] : memref<1000000x128xf32, #tpu.memory_space<hbm>> -> memref<1000000x128xf32, #tpu.memory_space<hbm>>
    tpu.wait_indirect_dma semaphore(%arg9 : memref<!tpu.dma_semaphore, #tpu.memory_space<semaphore_mem>>) src(%dma_wait3A_60 : memref<1000000x128xf32, #tpu.memory_space<hbm>>) dst(%dma_wait3A_54 : memref<72x128xf32, #tpu.memory_space<vmem>>)
    %parallel_loop3A = arith.constant 0 : i32
    %parallel_loop3A_61 = arith.constant 200 : i32
    %parallel_loop3A_62 = arith.constant 1 : i32
    scf.for %parallel_loop3A_369 = %parallel_loop3A to %parallel_loop3A_61 step %parallel_loop3A_62  : i32 {
      %parallel_loop3A_370 = arith.index_cast %parallel_loop3A_369 : i32 to index
      %parallel_loop3A_371 = arith.constant 0 : index
      %parallel_loop3A_372 = tpu.vector_load %arg6[%parallel_loop3A_370, %parallel_loop3A_371] {strides = array<i32>} : memref<200x128xf32, #tpu.memory_space<vmem>>, vector<1x16xf32>,
      %parallel_loop3A_373 = vector.shape_cast %parallel_loop3A_372 : vector<1x16xf32> to vector<16xf32>
      %parallel_loop3A_374 = arith.constant 8.000000e+00 : f32
      %parallel_loop3A_375 = vector.broadcast %parallel_loop3A_374 : f32 to vector<16xf32>
      %parallel_loop3A_376 = arith.mulf %parallel_loop3A_373, %parallel_loop3A_375 : vector<16xf32>
      %parallel_loop3A_377 = arith.index_cast %parallel_loop3A_369 : i32 to index
      %parallel_loop3A_378 = arith.constant 0 : index
      %parallel_loop3A_379 = tpu.vector_load %arg6[%parallel_loop3A_377, %parallel_loop3A_378] {strides = array<i32>} : memref<200x128xf32, #tpu.memory_space<vmem>>, vector<1x16xf32>,
      %parallel_loop3A_380 = vector.shape_cast %parallel_loop3A_379 : vector<1x16xf32> to vector<16xf32>
      %parallel_loop3A_381 = vector.shape_cast %parallel_loop3A_376 : vector<16xf32> to vector<1x16xf32>
      tpu.vector_store %arg6[%parallel_loop3A_377, %parallel_loop3A_378], %parallel_loop3A_381 {strides = array<i32>} : memref<200x128xf32, #tpu.memory_space<vmem>>, vector<1x16xf32>,
      %parallel_loop3A_382 = arith.index_cast %parallel_loop3A_369 : i32 to index
      %parallel_loop3A_383 = arith.constant 16 : index
      %parallel_loop3A_384 = tpu.vector_load %arg6[%parallel_loop3A_382, %parallel_loop3A_383] {strides = array<i32>} : memref<200x128xf32, #tpu.memory_space<vmem>>, vector<1x16xf32>,
      %parallel_loop3A_385 = vector.shape_cast %parallel_loop3A_384 : vector<1x16xf32> to vector<16xf32>
      %parallel_loop3A_386 = arith.constant 8.000000e+00 : f32
      %parallel_loop3A_387 = vector.broadcast %parallel_loop3A_386 : f32 to vector<16xf32>
      %parallel_loop3A_388 = arith.mulf %parallel_loop3A_385, %parallel_loop3A_387 : vector<16xf32>
      %parallel_loop3A_389 = arith.index_cast %parallel_loop3A_369 : i32 to index
      %parallel_loop3A_390 = arith.constant 16 : index
      %parallel_loop3A_391 = tpu.vector_load %arg6[%parallel_loop3A_389, %parallel_loop3A_390] {strides = array<i32>} : memref<200x128xf32, #tpu.memory_space<vmem>>, vector<1x16xf32>,
      %parallel_loop3A_392 = vector.shape_cast %parallel_loop3A_391 : vector<1x16xf32> to vector<16xf32>
      %parallel_loop3A_393 = vector.shape_cast %parallel_loop3A_388 : vector<16xf32> to vector<1x16xf32>
      tpu.vector_store %arg6[%parallel_loop3A_389, %parallel_loop3A_390], %parallel_loop3A_393 {strides = array<i32>} : memref<200x128xf32, #tpu.memory_space<vmem>>, vector<1x16xf32>,
      %parallel_loop3A_394 = arith.index_cast %parallel_loop3A_369 : i32 to index
      %parallel_loop3A_395 = arith.constant 32 : index
      %parallel_loop3A_396 = tpu.vector_load %arg6[%parallel_loop3A_394, %parallel_loop3A_395] {strides = array<i32>} : memref<200x128xf32, #tpu.memory_space<vmem>>, vector<1x16xf32>,
      %parallel_loop3A_397 = vector.shape_cast %parallel_loop3A_396 : vector<1x16xf32> to vector<16xf32>
      %parallel_loop3A_398 = arith.constant 8.000000e+00 : f32
      %parallel_loop3A_399 = vector.broadcast %parallel_loop3A_398 : f32 to vector<16xf32>
      %parallel_loop3A_400 = arith.mulf %parallel_loop3A_397, %parallel_loop3A_399 : vector<16xf32>
      %parallel_loop3A_401 = arith.index_cast %parallel_loop3A_369 : i32 to index
      %parallel_loop3A_402 = arith.constant 32 : index
      %parallel_loop3A_403 = tpu.vector_load %arg6[%parallel_loop3A_401, %parallel_loop3A_402] {strides = array<i32>} : memref<200x128xf32, #tpu.memory_space<vmem>>, vector<1x16xf32>,
      %parallel_loop3A_404 = vector.shape_cast %parallel_loop3A_403 : vector<1x16xf32> to vector<16xf32>
      %parallel_loop3A_405 = vector.shape_cast %parallel_loop3A_400 : vector<16xf32> to vector<1x16xf32>
      tpu.vector_store %arg6[%parallel_loop3A_401, %parallel_loop3A_402], %parallel_loop3A_405 {strides = array<i32>} : memref<200x128xf32, #tpu.memory_space<vmem>>, vector<1x16xf32>,
      %parallel_loop3A_406 = arith.index_cast %parallel_loop3A_369 : i32 to index
      %parallel_loop3A_407 = arith.constant 48 : index
      %parallel_loop3A_408 = tpu.vector_load %arg6[%parallel_loop3A_406, %parallel_loop3A_407] {strides = array<i32>} : memref<200x128xf32, #tpu.memory_space<vmem>>, vector<1x16xf32>,
      %parallel_loop3A_409 = vector.shape_cast %parallel_loop3A_408 : vector<1x16xf32> to vector<16xf32>
      %parallel_loop3A_410 = arith.constant 8.000000e+00 : f32
      %parallel_loop3A_411 = vector.broadcast %parallel_loop3A_410 : f32 to vector<16xf32>
      %parallel_loop3A_412 = arith.mulf %parallel_loop3A_409, %parallel_loop3A_411 : vector<16xf32>
      %parallel_loop3A_413 = arith.index_cast %parallel_loop3A_369 : i32 to index
      %parallel_loop3A_414 = arith.constant 48 : index
      %parallel_loop3A_415 = tpu.vector_load %arg6[%parallel_loop3A_413, %parallel_loop3A_414] {strides = array<i32>} : memref<200x128xf32, #tpu.memory_space<vmem>>, vector<1x16xf32>,
      %parallel_loop3A_416 = vector.shape_cast %parallel_loop3A_415 : vector<1x16xf32> to vector<16xf32>
      %parallel_loop3A_417 = vector.shape_cast %parallel_loop3A_412 : vector<16xf32> to vector<1x16xf32>
      tpu.vector_store %arg6[%parallel_loop3A_413, %parallel_loop3A_414], %parallel_loop3A_417 {strides = array<i32>} : memref<200x128xf32, #tpu.memory_space<vmem>>, vector<1x16xf32>,
    } {sc.loop_unroll_factor = 4 : i64, sc.parallel_access}
    %add3A_63 = arith.constant 0 : i32
    %add3A_64 = arith.addi %mul3A_2, %add3A_63 : i32
    %dma_start3A_65 = arith.constant 0 : i32
    %dma_start3A_66 = arith.constant 0 : i32
    %dma_start3A_67 = tpu.memref_slice %arg6[%dma_start3A_65, %dma_start3A_66] : memref<200x128xf32, #tpu.memory_space<vmem>> -> memref<200x64xf32, #tpu.memory_space<vmem>>
    %dma_start3A_68 = arith.constant 0 : i32
    %dma_start3A_69 = arith.constant 0 : i32
    %dma_start3A_70 = tpu.memref_slice %arg4[%add3A_64, %dma_start3A_68, %dma_start3A_69] : memref<4096x200x128xf32, #tpu.memory_space<hbm>> -> memref<1x200x64xf32, #tpu.memory_space<hbm>>
    %dma_start3A_71 = tpu.memref_squeeze %dma_start3A_70 : memref<1x200x64xf32, #tpu.memory_space<hbm>> -> memref<200x64xf32, #tpu.memory_space<hbm>>
    %dma_start3A_72 = arith.constant 0 : i32
    %dma_start3A_73 = arith.constant 0 : i32
    %dma_start3A_74 = tpu.memref_slice %arg4[%add3A_64, %dma_start3A_72, %dma_start3A_73] : memref<4096x200x128xf32, #tpu.memory_space<hbm>> -> memref<1x200x64xf32, #tpu.memory_space<hbm>>
    %dma_start3A_75 = tpu.memref_squeeze %dma_start3A_74 : memref<1x200x64xf32, #tpu.memory_space<hbm>> -> memref<200x64xf32, #tpu.memory_space<hbm>>
    %dma_start3A_76 = arith.constant 0 : i32
    %dma_start3A_77 = arith.constant 0 : i32
    %dma_start3A_78 = tpu.memref_slice %arg6[%dma_start3A_76, %dma_start3A_77] : memref<200x128xf32, #tpu.memory_space<vmem>> -> memref<200x64xf32, #tpu.memory_space<vmem>>
    tpu.enqueue_dma source(%dma_start3A_78 : memref<200x64xf32, #tpu.memory_space<vmem>>) target(%dma_start3A_75 : memref<200x64xf32, #tpu.memory_space<hbm>>) target_semaphore(%arg12 : memref<!tpu.dma_semaphore, #tpu.memory_space<semaphore_mem>>)
    %dma_start3A_79 = arith.constant 2 : i32
    %dma_start3A_80 = arith.constant 0 : i32
    %dma_start3A_81 = arith.constant 0 : i32
    %dma_start3A_82 = tpu.memref_slice %arg8[%dma_start3A_80, %dma_start3A_81] : memref<200x128xf32, #tpu.memory_space<vmem>> -> memref<128x128xf32, #tpu.memory_space<vmem>>
    %dma_start3A_83 = arith.constant 0 : i32
    %dma_start3A_84 = tpu.memref_slice %arg5[%dma_start3A_79, %dma_start3A_83] : memref<128x200xi32, #tpu.memory_space<vmem>> -> memref<1x128xi32, #tpu.memory_space<vmem>>
    %dma_start3A_85 = tpu.memref_squeeze %dma_start3A_84 : memref<1x128xi32, #tpu.memory_space<vmem>> -> memref<128xi32, #tpu.memory_space<vmem>>
    %dma_start3A_86 = arith.constant 0 : i32
    %dma_start3A_87 = arith.constant 0 : i32
    %dma_start3A_88 = tpu.memref_slice %arg3[%dma_start3A_86, %dma_start3A_87] : memref<1000000x128xf32, #tpu.memory_space<hbm>> -> memref<1000000x128xf32, #tpu.memory_space<hbm>>
    tpu.enqueue_indirect_dma source(%dma_start3A_88 : memref<1000000x128xf32, #tpu.memory_space<hbm>>) target(%dma_start3A_82 : memref<128x128xf32, #tpu.memory_space<vmem>>) offsets(%dma_start3A_85 : memref<128xi32, #tpu.memory_space<vmem>>) semaphore(%arg11 : memref<!tpu.dma_semaphore, #tpu.memory_space<semaphore_mem>>)
    %dma_start3A_89 = arith.constant 2 : i32
    %dma_start3A_90 = arith.constant 128 : i32
    %dma_start3A_91 = arith.constant 0 : i32
    %dma_start3A_92 = tpu.memref_slice %arg8[%dma_start3A_90, %dma_start3A_91] : memref<200x128xf32, #tpu.memory_space<vmem>> -> memref<72x128xf32, #tpu.memory_space<vmem>>
    %dma_start3A_93 = arith.constant 128 : i32
    %dma_start3A_94 = tpu.memref_slice %arg5[%dma_start3A_89, %dma_start3A_93] : memref<128x200xi32, #tpu.memory_space<vmem>> -> memref<1x72xi32, #tpu.memory_space<vmem>>
    %dma_start3A_95 = tpu.memref_squeeze %dma_start3A_94 : memref<1x72xi32, #tpu.memory_space<vmem>> -> memref<72xi32, #tpu.memory_space<vmem>>
    %dma_start3A_96 = arith.constant 0 : i32
    %dma_start3A_97 = arith.constant 0 : i32
    %dma_start3A_98 = tpu.memref_slice %arg3[%dma_start3A_96, %dma_start3A_97] : memref<1000000x128xf32, #tpu.memory_space<hbm>> -> memref<1000000x128xf32, #tpu.memory_space<hbm>>
    tpu.enqueue_indirect_dma source(%dma_start3A_98 : memref<1000000x128xf32, #tpu.memory_space<hbm>>) target(%dma_start3A_92 : memref<72x128xf32, #tpu.memory_space<vmem>>) offsets(%dma_start3A_95 : memref<72xi32, #tpu.memory_space<vmem>>) semaphore(%arg11 : memref<!tpu.dma_semaphore, #tpu.memory_space<semaphore_mem>>)
    %dma_wait3A_99 = arith.constant 1 : i32
    %dma_wait3A_100 = arith.constant 0 : i32
    %dma_wait3A_101 = arith.constant 0 : i32
    %dma_wait3A_102 = tpu.memref_slice %arg7[%dma_wait3A_100, %dma_wait3A_101] : memref<200x128xf32, #tpu.memory_space<vmem>> -> memref<128x128xf32, #tpu.memory_space<vmem>>
    %dma_wait3A_103 = arith.constant 0 : i32
    %dma_wait3A_104 = tpu.memref_slice %arg5[%dma_wait3A_99, %dma_wait3A_103] : memref<128x200xi32, #tpu.memory_space<vmem>> -> memref<1x128xi32, #tpu.memory_space<vmem>>
    %dma_wait3A_105 = tpu.memref_squeeze %dma_wait3A_104 : memref<1x128xi32, #tpu.memory_space<vmem>> -> memref<128xi32, #tpu.memory_space<vmem>>
    %dma_wait3A_106 = arith.constant 0 : i32
    %dma_wait3A_107 = arith.constant 0 : i32
    %dma_wait3A_108 = tpu.memref_slice %arg3[%dma_wait3A_106, %dma_wait3A_107] : memref<1000000x128xf32, #tpu.memory_space<hbm>> -> memref<1000000x128xf32, #tpu.memory_space<hbm>>
    tpu.wait_indirect_dma semaphore(%arg10 : memref<!tpu.dma_semaphore, #tpu.memory_space<semaphore_mem>>) src(%dma_wait3A_108 : memref<1000000x128xf32, #tpu.memory_space<hbm>>) dst(%dma_wait3A_102 : memref<128x128xf32, #tpu.memory_space<vmem>>)
    %dma_wait3A_109 = arith.constant 1 : i32
    %dma_wait3A_110 = arith.constant 128 : i32
    %dma_wait3A_111 = arith.constant 0 : i32
    %dma_wait3A_112 = tpu.memref_slice %arg7[%dma_wait3A_110, %dma_wait3A_111] : memref<200x128xf32, #tpu.memory_space<vmem>> -> memref<72x128xf32, #tpu.memory_space<vmem>>
    %dma_wait3A_113 = arith.constant 128 : i32
    %dma_wait3A_114 = tpu.memref_slice %arg5[%dma_wait3A_109, %dma_wait3A_113] : memref<128x200xi32, #tpu.memory_space<vmem>> -> memref<1x72xi32, #tpu.memory_space<vmem>>
    %dma_wait3A_115 = tpu.memref_squeeze %dma_wait3A_114 : memref<1x72xi32, #tpu.memory_space<vmem>> -> memref<72xi32, #tpu.memory_space<vmem>>
    %dma_wait3A_116 = arith.constant 0 : i32
    %dma_wait3A_117 = arith.constant 0 : i32
    %dma_wait3A_118 = tpu.memref_slice %arg3[%dma_wait3A_116, %dma_wait3A_117] : memref<1000000x128xf32, #tpu.memory_space<hbm>> -> memref<1000000x128xf32, #tpu.memory_space<hbm>>
    tpu.wait_indirect_dma semaphore(%arg10 : memref<!tpu.dma_semaphore, #tpu.memory_space<semaphore_mem>>) src(%dma_wait3A_118 : memref<1000000x128xf32, #tpu.memory_space<hbm>>) dst(%dma_wait3A_112 : memref<72x128xf32, #tpu.memory_space<vmem>>)
    %parallel_loop3A_119 = arith.constant 0 : i32
    %parallel_loop3A_120 = arith.constant 200 : i32
    %parallel_loop3A_121 = arith.constant 1 : i32
    scf.for %parallel_loop3A_369 = %parallel_loop3A_119 to %parallel_loop3A_120 step %parallel_loop3A_121  : i32 {
      %parallel_loop3A_370 = arith.index_cast %parallel_loop3A_369 : i32 to index
      %parallel_loop3A_371 = arith.constant 0 : index
      %parallel_loop3A_372 = tpu.vector_load %arg7[%parallel_loop3A_370, %parallel_loop3A_371] {strides = array<i32>} : memref<200x128xf32, #tpu.memory_space<vmem>>, vector<1x16xf32>,
      %parallel_loop3A_373 = vector.shape_cast %parallel_loop3A_372 : vector<1x16xf32> to vector<16xf32>
      %parallel_loop3A_374 = arith.constant 8.000000e+00 : f32
      %parallel_loop3A_375 = vector.broadcast %parallel_loop3A_374 : f32 to vector<16xf32>
      %parallel_loop3A_376 = arith.mulf %parallel_loop3A_373, %parallel_loop3A_375 : vector<16xf32>
      %parallel_loop3A_377 = arith.index_cast %parallel_loop3A_369 : i32 to index
      %parallel_loop3A_378 = arith.constant 0 : index
      %parallel_loop3A_379 = tpu.vector_load %arg7[%parallel_loop3A_377, %parallel_loop3A_378] {strides = array<i32>} : memref<200x128xf32, #tpu.memory_space<vmem>>, vector<1x16xf32>,
      %parallel_loop3A_380 = vector.shape_cast %parallel_loop3A_379 : vector<1x16xf32> to vector<16xf32>
      %parallel_loop3A_381 = vector.shape_cast %parallel_loop3A_376 : vector<16xf32> to vector<1x16xf32>
      tpu.vector_store %arg7[%parallel_loop3A_377, %parallel_loop3A_378], %parallel_loop3A_381 {strides = array<i32>} : memref<200x128xf32, #tpu.memory_space<vmem>>, vector<1x16xf32>,
      %parallel_loop3A_382 = arith.index_cast %parallel_loop3A_369 : i32 to index
      %parallel_loop3A_383 = arith.constant 16 : index
      %parallel_loop3A_384 = tpu.vector_load %arg7[%parallel_loop3A_382, %parallel_loop3A_383] {strides = array<i32>} : memref<200x128xf32, #tpu.memory_space<vmem>>, vector<1x16xf32>,
      %parallel_loop3A_385 = vector.shape_cast %parallel_loop3A_384 : vector<1x16xf32> to vector<16xf32>
      %parallel_loop3A_386 = arith.constant 8.000000e+00 : f32
      %parallel_loop3A_387 = vector.broadcast %parallel_loop3A_386 : f32 to vector<16xf32>
      %parallel_loop3A_388 = arith.mulf %parallel_loop3A_385, %parallel_loop3A_387 : vector<16xf32>
      %parallel_loop3A_389 = arith.index_cast %parallel_loop3A_369 : i32 to index
      %parallel_loop3A_390 = arith.constant 16 : index
      %parallel_loop3A_391 = tpu.vector_load %arg7[%parallel_loop3A_389, %parallel_loop3A_390] {strides = array<i32>} : memref<200x128xf32, #tpu.memory_space<vmem>>, vector<1x16xf32>,
      %parallel_loop3A_392 = vector.shape_cast %parallel_loop3A_391 : vector<1x16xf32> to vector<16xf32>
      %parallel_loop3A_393 = vector.shape_cast %parallel_loop3A_388 : vector<16xf32> to vector<1x16xf32>
      tpu.vector_store %arg7[%parallel_loop3A_389, %parallel_loop3A_390], %parallel_loop3A_393 {strides = array<i32>} : memref<200x128xf32, #tpu.memory_space<vmem>>, vector<1x16xf32>,
      %parallel_loop3A_394 = arith.index_cast %parallel_loop3A_369 : i32 to index
      %parallel_loop3A_395 = arith.constant 32 : index
      %parallel_loop3A_396 = tpu.vector_load %arg7[%parallel_loop3A_394, %parallel_loop3A_395] {strides = array<i32>} : memref<200x128xf32, #tpu.memory_space<vmem>>, vector<1x16xf32>,
      %parallel_loop3A_397 = vector.shape_cast %parallel_loop3A_396 : vector<1x16xf32> to vector<16xf32>
      %parallel_loop3A_398 = arith.constant 8.000000e+00 : f32
      %parallel_loop3A_399 = vector.broadcast %parallel_loop3A_398 : f32 to vector<16xf32>
      %parallel_loop3A_400 = arith.mulf %parallel_loop3A_397, %parallel_loop3A_399 : vector<16xf32>
      %parallel_loop3A_401 = arith.index_cast %parallel_loop3A_369 : i32 to index
      %parallel_loop3A_402 = arith.constant 32 : index
      %parallel_loop3A_403 = tpu.vector_load %arg7[%parallel_loop3A_401, %parallel_loop3A_402] {strides = array<i32>} : memref<200x128xf32, #tpu.memory_space<vmem>>, vector<1x16xf32>,
      %parallel_loop3A_404 = vector.shape_cast %parallel_loop3A_403 : vector<1x16xf32> to vector<16xf32>
      %parallel_loop3A_405 = vector.shape_cast %parallel_loop3A_400 : vector<16xf32> to vector<1x16xf32>
      tpu.vector_store %arg7[%parallel_loop3A_401, %parallel_loop3A_402], %parallel_loop3A_405 {strides = array<i32>} : memref<200x128xf32, #tpu.memory_space<vmem>>, vector<1x16xf32>,
      %parallel_loop3A_406 = arith.index_cast %parallel_loop3A_369 : i32 to index
      %parallel_loop3A_407 = arith.constant 48 : index
      %parallel_loop3A_408 = tpu.vector_load %arg7[%parallel_loop3A_406, %parallel_loop3A_407] {strides = array<i32>} : memref<200x128xf32, #tpu.memory_space<vmem>>, vector<1x16xf32>,
      %parallel_loop3A_409 = vector.shape_cast %parallel_loop3A_408 : vector<1x16xf32> to vector<16xf32>
      %parallel_loop3A_410 = arith.constant 8.000000e+00 : f32
      %parallel_loop3A_411 = vector.broadcast %parallel_loop3A_410 : f32 to vector<16xf32>
      %parallel_loop3A_412 = arith.mulf %parallel_loop3A_409, %parallel_loop3A_411 : vector<16xf32>
      %parallel_loop3A_413 = arith.index_cast %parallel_loop3A_369 : i32 to index
      %parallel_loop3A_414 = arith.constant 48 : index
      %parallel_loop3A_415 = tpu.vector_load %arg7[%parallel_loop3A_413, %parallel_loop3A_414] {strides = array<i32>} : memref<200x128xf32, #tpu.memory_space<vmem>>, vector<1x16xf32>,
      %parallel_loop3A_416 = vector.shape_cast %parallel_loop3A_415 : vector<1x16xf32> to vector<16xf32>
      %parallel_loop3A_417 = vector.shape_cast %parallel_loop3A_412 : vector<16xf32> to vector<1x16xf32>
      tpu.vector_store %arg7[%parallel_loop3A_413, %parallel_loop3A_414], %parallel_loop3A_417 {strides = array<i32>} : memref<200x128xf32, #tpu.memory_space<vmem>>, vector<1x16xf32>,
    } {sc.loop_unroll_factor = 4 : i64, sc.parallel_access}
    %add3A_122 = arith.constant 1 : i32
    %add3A_123 = arith.addi %mul3A_2, %add3A_122 : i32
    %dma_start3A_124 = arith.constant 0 : i32
    %dma_start3A_125 = arith.constant 0 : i32
    %dma_start3A_126 = tpu.memref_slice %arg7[%dma_start3A_124, %dma_start3A_125] : memref<200x128xf32, #tpu.memory_space<vmem>> -> memref<200x64xf32, #tpu.memory_space<vmem>>
    %dma_start3A_127 = arith.constant 0 : i32
    %dma_start3A_128 = arith.constant 0 : i32
    %dma_start3A_129 = tpu.memref_slice %arg4[%add3A_123, %dma_start3A_127, %dma_start3A_128] : memref<4096x200x128xf32, #tpu.memory_space<hbm>> -> memref<1x200x64xf32, #tpu.memory_space<hbm>>
    %dma_start3A_130 = tpu.memref_squeeze %dma_start3A_129 : memref<1x200x64xf32, #tpu.memory_space<hbm>> -> memref<200x64xf32, #tpu.memory_space<hbm>>
    %dma_start3A_131 = arith.constant 0 : i32
    %dma_start3A_132 = arith.constant 0 : i32
    %dma_start3A_133 = tpu.memref_slice %arg4[%add3A_123, %dma_start3A_131, %dma_start3A_132] : memref<4096x200x128xf32, #tpu.memory_space<hbm>> -> memref<1x200x64xf32, #tpu.memory_space<hbm>>
    %dma_start3A_134 = tpu.memref_squeeze %dma_start3A_133 : memref<1x200x64xf32, #tpu.memory_space<hbm>> -> memref<200x64xf32, #tpu.memory_space<hbm>>
    %dma_start3A_135 = arith.constant 0 : i32
    %dma_start3A_136 = arith.constant 0 : i32
    %dma_start3A_137 = tpu.memref_slice %arg7[%dma_start3A_135, %dma_start3A_136] : memref<200x128xf32, #tpu.memory_space<vmem>> -> memref<200x64xf32, #tpu.memory_space<vmem>>
    tpu.enqueue_dma source(%dma_start3A_137 : memref<200x64xf32, #tpu.memory_space<vmem>>) target(%dma_start3A_134 : memref<200x64xf32, #tpu.memory_space<hbm>>) target_semaphore(%arg13 : memref<!tpu.dma_semaphore, #tpu.memory_space<semaphore_mem>>)
    %dma_wait3A_138 = arith.constant 0 : i32
    %dma_wait3A_139 = arith.constant 0 : i32
    %dma_wait3A_140 = tpu.memref_slice %arg6[%dma_wait3A_138, %dma_wait3A_139] : memref<200x128xf32, #tpu.memory_space<vmem>> -> memref<200x64xf32, #tpu.memory_space<vmem>>
    %dma_wait3A_141 = arith.constant 0 : i32
    %dma_wait3A_142 = arith.constant 0 : i32
    %dma_wait3A_143 = tpu.memref_slice %arg4[%mul3A_2, %dma_wait3A_141, %dma_wait3A_142] : memref<4096x200x128xf32, #tpu.memory_space<hbm>> -> memref<1x200x64xf32, #tpu.memory_space<hbm>>
    %dma_wait3A_144 = tpu.memref_squeeze %dma_wait3A_143 : memref<1x200x64xf32, #tpu.memory_space<hbm>> -> memref<200x64xf32, #tpu.memory_space<hbm>>
    %dma_wait3A_145 = arith.constant 0 : i32
    %dma_wait3A_146 = arith.constant 0 : i32
    %dma_wait3A_147 = tpu.memref_slice %arg4[%mul3A_2, %dma_wait3A_145, %dma_wait3A_146] : memref<4096x200x128xf32, #tpu.memory_space<hbm>> -> memref<1x200x64xf32, #tpu.memory_space<hbm>>
    %dma_wait3A_148 = tpu.memref_squeeze %dma_wait3A_147 : memref<1x200x64xf32, #tpu.memory_space<hbm>> -> memref<200x64xf32, #tpu.memory_space<hbm>>
    %dma_wait3A_149 = arith.constant 0 : i32
    %dma_wait3A_150 = arith.constant 0 : i32
    %dma_wait3A_151 = tpu.memref_slice %arg6[%dma_wait3A_149, %dma_wait3A_150] : memref<200x128xf32, #tpu.memory_space<vmem>> -> memref<200x64xf32, #tpu.memory_space<vmem>>
    tpu.wait_dma2 semaphore(%arg12 : memref<!tpu.dma_semaphore, #tpu.memory_space<semaphore_mem>>) src(%dma_wait3A_151 : memref<200x64xf32, #tpu.memory_space<vmem>>) dst(%dma_wait3A_148 : memref<200x64xf32, #tpu.memory_space<hbm>>)
    %dma_start3A_152 = arith.constant 3 : i32
    %dma_start3A_153 = arith.constant 0 : i32
    %dma_start3A_154 = arith.constant 0 : i32
    %dma_start3A_155 = tpu.memref_slice %arg6[%dma_start3A_153, %dma_start3A_154] : memref<200x128xf32, #tpu.memory_space<vmem>> -> memref<128x128xf32, #tpu.memory_space<vmem>>
    %dma_start3A_156 = arith.constant 0 : i32
    %dma_start3A_157 = tpu.memref_slice %arg5[%dma_start3A_152, %dma_start3A_156] : memref<128x200xi32, #tpu.memory_space<vmem>> -> memref<1x128xi32, #tpu.memory_space<vmem>>
    %dma_start3A_158 = tpu.memref_squeeze %dma_start3A_157 : memref<1x128xi32, #tpu.memory_space<vmem>> -> memref<128xi32, #tpu.memory_space<vmem>>
    %dma_start3A_159 = arith.constant 0 : i32
    %dma_start3A_160 = arith.constant 0 : i32
    %dma_start3A_161 = tpu.memref_slice %arg3[%dma_start3A_159, %dma_start3A_160] : memref<1000000x128xf32, #tpu.memory_space<hbm>> -> memref<1000000x128xf32, #tpu.memory_space<hbm>>
    tpu.enqueue_indirect_dma source(%dma_start3A_161 : memref<1000000x128xf32, #tpu.memory_space<hbm>>) target(%dma_start3A_155 : memref<128x128xf32, #tpu.memory_space<vmem>>) offsets(%dma_start3A_158 : memref<128xi32, #tpu.memory_space<vmem>>) semaphore(%arg9 : memref<!tpu.dma_semaphore, #tpu.memory_space<semaphore_mem>>)
    %dma_start3A_162 = arith.constant 3 : i32
    %dma_start3A_163 = arith.constant 128 : i32
    %dma_start3A_164 = arith.constant 0 : i32
    %dma_start3A_165 = tpu.memref_slice %arg6[%dma_start3A_163, %dma_start3A_164] : memref<200x128xf32, #tpu.memory_space<vmem>> -> memref<72x128xf32, #tpu.memory_space<vmem>>
    %dma_start3A_166 = arith.constant 128 : i32
    %dma_start3A_167 = tpu.memref_slice %arg5[%dma_start3A_162, %dma_start3A_166] : memref<128x200xi32, #tpu.memory_space<vmem>> -> memref<1x72xi32, #tpu.memory_space<vmem>>
    %dma_start3A_168 = tpu.memref_squeeze %dma_start3A_167 : memref<1x72xi32, #tpu.memory_space<vmem>> -> memref<72xi32, #tpu.memory_space<vmem>>
    %dma_start3A_169 = arith.constant 0 : i32
    %dma_start3A_170 = arith.constant 0 : i32
    %dma_start3A_171 = tpu.memref_slice %arg3[%dma_start3A_169, %dma_start3A_170] : memref<1000000x128xf32, #tpu.memory_space<hbm>> -> memref<1000000x128xf32, #tpu.memory_space<hbm>>
    tpu.enqueue_indirect_dma source(%dma_start3A_171 : memref<1000000x128xf32, #tpu.memory_space<hbm>>) target(%dma_start3A_165 : memref<72x128xf32, #tpu.memory_space<vmem>>) offsets(%dma_start3A_168 : memref<72xi32, #tpu.memory_space<vmem>>) semaphore(%arg9 : memref<!tpu.dma_semaphore, #tpu.memory_space<semaphore_mem>>)
    %dma_wait3A_172 = arith.constant 2 : i32
    %dma_wait3A_173 = arith.constant 0 : i32
    %dma_wait3A_174 = arith.constant 0 : i32
    %dma_wait3A_175 = tpu.memref_slice %arg8[%dma_wait3A_173, %dma_wait3A_174] : memref<200x128xf32, #tpu.memory_space<vmem>> -> memref<128x128xf32, #tpu.memory_space<vmem>>
    %dma_wait3A_176 = arith.constant 0 : i32
    %dma_wait3A_177 = tpu.memref_slice %arg5[%dma_wait3A_172, %dma_wait3A_176] : memref<128x200xi32, #tpu.memory_space<vmem>> -> memref<1x128xi32, #tpu.memory_space<vmem>>
    %dma_wait3A_178 = tpu.memref_squeeze %dma_wait3A_177 : memref<1x128xi32, #tpu.memory_space<vmem>> -> memref<128xi32, #tpu.memory_space<vmem>>
    %dma_wait3A_179 = arith.constant 0 : i32
    %dma_wait3A_180 = arith.constant 0 : i32
    %dma_wait3A_181 = tpu.memref_slice %arg3[%dma_wait3A_179, %dma_wait3A_180] : memref<1000000x128xf32, #tpu.memory_space<hbm>> -> memref<1000000x128xf32, #tpu.memory_space<hbm>>
    tpu.wait_indirect_dma semaphore(%arg11 : memref<!tpu.dma_semaphore, #tpu.memory_space<semaphore_mem>>) src(%dma_wait3A_181 : memref<1000000x128xf32, #tpu.memory_space<hbm>>) dst(%dma_wait3A_175 : memref<128x128xf32, #tpu.memory_space<vmem>>)
    %dma_wait3A_182 = arith.constant 2 : i32
    %dma_wait3A_183 = arith.constant 128 : i32
    %dma_wait3A_184 = arith.constant 0 : i32
    %dma_wait3A_185 = tpu.memref_slice %arg8[%dma_wait3A_183, %dma_wait3A_184] : memref<200x128xf32, #tpu.memory_space<vmem>> -> memref<72x128xf32, #tpu.memory_space<vmem>>
    %dma_wait3A_186 = arith.constant 128 : i32
    %dma_wait3A_187 = tpu.memref_slice %arg5[%dma_wait3A_182, %dma_wait3A_186] : memref<128x200xi32, #tpu.memory_space<vmem>> -> memref<1x72xi32, #tpu.memory_space<vmem>>
    %dma_wait3A_188 = tpu.memref_squeeze %dma_wait3A_187 : memref<1x72xi32, #tpu.memory_space<vmem>> -> memref<72xi32, #tpu.memory_space<vmem>>
    %dma_wait3A_189 = arith.constant 0 : i32
    %dma_wait3A_190 = arith.constant 0 : i32
    %dma_wait3A_191 = tpu.memref_slice %arg3[%dma_wait3A_189, %dma_wait3A_190] : memref<1000000x128xf32, #tpu.memory_space<hbm>> -> memref<1000000x128xf32, #tpu.memory_space<hbm>>
    tpu.wait_indirect_dma semaphore(%arg11 : memref<!tpu.dma_semaphore, #tpu.memory_space<semaphore_mem>>) src(%dma_wait3A_191 : memref<1000000x128xf32, #tpu.memory_space<hbm>>) dst(%dma_wait3A_185 : memref<72x128xf32, #tpu.memory_space<vmem>>)
    %parallel_loop3A_192 = arith.constant 0 : i32
    %parallel_loop3A_193 = arith.constant 200 : i32
    %parallel_loop3A_194 = arith.constant 1 : i32
    scf.for %parallel_loop3A_369 = %parallel_loop3A_192 to %parallel_loop3A_193 step %parallel_loop3A_194  : i32 {
      %parallel_loop3A_370 = arith.index_cast %parallel_loop3A_369 : i32 to index
      %parallel_loop3A_371 = arith.constant 0 : index
      %parallel_loop3A_372 = tpu.vector_load %arg8[%parallel_loop3A_370, %parallel_loop3A_371] {strides = array<i32>} : memref<200x128xf32, #tpu.memory_space<vmem>>, vector<1x16xf32>,
      %parallel_loop3A_373 = vector.shape_cast %parallel_loop3A_372 : vector<1x16xf32> to vector<16xf32>
      %parallel_loop3A_374 = arith.constant 8.000000e+00 : f32
      %parallel_loop3A_375 = vector.broadcast %parallel_loop3A_374 : f32 to vector<16xf32>
      %parallel_loop3A_376 = arith.mulf %parallel_loop3A_373, %parallel_loop3A_375 : vector<16xf32>
      %parallel_loop3A_377 = arith.index_cast %parallel_loop3A_369 : i32 to index
      %parallel_loop3A_378 = arith.constant 0 : index
      %parallel_loop3A_379 = tpu.vector_load %arg8[%parallel_loop3A_377, %parallel_loop3A_378] {strides = array<i32>} : memref<200x128xf32, #tpu.memory_space<vmem>>, vector<1x16xf32>,
      %parallel_loop3A_380 = vector.shape_cast %parallel_loop3A_379 : vector<1x16xf32> to vector<16xf32>
      %parallel_loop3A_381 = vector.shape_cast %parallel_loop3A_376 : vector<16xf32> to vector<1x16xf32>
      tpu.vector_store %arg8[%parallel_loop3A_377, %parallel_loop3A_378], %parallel_loop3A_381 {strides = array<i32>} : memref<200x128xf32, #tpu.memory_space<vmem>>, vector<1x16xf32>,
      %parallel_loop3A_382 = arith.index_cast %parallel_loop3A_369 : i32 to index
      %parallel_loop3A_383 = arith.constant 16 : index
      %parallel_loop3A_384 = tpu.vector_load %arg8[%parallel_loop3A_382, %parallel_loop3A_383] {strides = array<i32>} : memref<200x128xf32, #tpu.memory_space<vmem>>, vector<1x16xf32>,
      %parallel_loop3A_385 = vector.shape_cast %parallel_loop3A_384 : vector<1x16xf32> to vector<16xf32>
      %parallel_loop3A_386 = arith.constant 8.000000e+00 : f32
      %parallel_loop3A_387 = vector.broadcast %parallel_loop3A_386 : f32 to vector<16xf32>
      %parallel_loop3A_388 = arith.mulf %parallel_loop3A_385, %parallel_loop3A_387 : vector<16xf32>
      %parallel_loop3A_389 = arith.index_cast %parallel_loop3A_369 : i32 to index
      %parallel_loop3A_390 = arith.constant 16 : index
      %parallel_loop3A_391 = tpu.vector_load %arg8[%parallel_loop3A_389, %parallel_loop3A_390] {strides = array<i32>} : memref<200x128xf32, #tpu.memory_space<vmem>>, vector<1x16xf32>,
      %parallel_loop3A_392 = vector.shape_cast %parallel_loop3A_391 : vector<1x16xf32> to vector<16xf32>
      %parallel_loop3A_393 = vector.shape_cast %parallel_loop3A_388 : vector<16xf32> to vector<1x16xf32>
      tpu.vector_store %arg8[%parallel_loop3A_389, %parallel_loop3A_390], %parallel_loop3A_393 {strides = array<i32>} : memref<200x128xf32, #tpu.memory_space<vmem>>, vector<1x16xf32>,
      %parallel_loop3A_394 = arith.index_cast %parallel_loop3A_369 : i32 to index
      %parallel_loop3A_395 = arith.constant 32 : index
      %parallel_loop3A_396 = tpu.vector_load %arg8[%parallel_loop3A_394, %parallel_loop3A_395] {strides = array<i32>} : memref<200x128xf32, #tpu.memory_space<vmem>>, vector<1x16xf32>,
      %parallel_loop3A_397 = vector.shape_cast %parallel_loop3A_396 : vector<1x16xf32> to vector<16xf32>
      %parallel_loop3A_398 = arith.constant 8.000000e+00 : f32
      %parallel_loop3A_399 = vector.broadcast %parallel_loop3A_398 : f32 to vector<16xf32>
      %parallel_loop3A_400 = arith.mulf %parallel_loop3A_397, %parallel_loop3A_399 : vector<16xf32>
      %parallel_loop3A_401 = arith.index_cast %parallel_loop3A_369 : i32 to index
      %parallel_loop3A_402 = arith.constant 32 : index
      %parallel_loop3A_403 = tpu.vector_load %arg8[%parallel_loop3A_401, %parallel_loop3A_402] {strides = array<i32>} : memref<200x128xf32, #tpu.memory_space<vmem>>, vector<1x16xf32>,
      %parallel_loop3A_404 = vector.shape_cast %parallel_loop3A_403 : vector<1x16xf32> to vector<16xf32>
      %parallel_loop3A_405 = vector.shape_cast %parallel_loop3A_400 : vector<16xf32> to vector<1x16xf32>
      tpu.vector_store %arg8[%parallel_loop3A_401, %parallel_loop3A_402], %parallel_loop3A_405 {strides = array<i32>} : memref<200x128xf32, #tpu.memory_space<vmem>>, vector<1x16xf32>,
      %parallel_loop3A_406 = arith.index_cast %parallel_loop3A_369 : i32 to index
      %parallel_loop3A_407 = arith.constant 48 : index
      %parallel_loop3A_408 = tpu.vector_load %arg8[%parallel_loop3A_406, %parallel_loop3A_407] {strides = array<i32>} : memref<200x128xf32, #tpu.memory_space<vmem>>, vector<1x16xf32>,
      %parallel_loop3A_409 = vector.shape_cast %parallel_loop3A_408 : vector<1x16xf32> to vector<16xf32>
      %parallel_loop3A_410 = arith.constant 8.000000e+00 : f32
      %parallel_loop3A_411 = vector.broadcast %parallel_loop3A_410 : f32 to vector<16xf32>
      %parallel_loop3A_412 = arith.mulf %parallel_loop3A_409, %parallel_loop3A_411 : vector<16xf32>
      %parallel_loop3A_413 = arith.index_cast %parallel_loop3A_369 : i32 to index
      %parallel_loop3A_414 = arith.constant 48 : index
      %parallel_loop3A_415 = tpu.vector_load %arg8[%parallel_loop3A_413, %parallel_loop3A_414] {strides = array<i32>} : memref<200x128xf32, #tpu.memory_space<vmem>>, vector<1x16xf32>,
      %parallel_loop3A_416 = vector.shape_cast %parallel_loop3A_415 : vector<1x16xf32> to vector<16xf32>
      %parallel_loop3A_417 = vector.shape_cast %parallel_loop3A_412 : vector<16xf32> to vector<1x16xf32>
      tpu.vector_store %arg8[%parallel_loop3A_413, %parallel_loop3A_414], %parallel_loop3A_417 {strides = array<i32>} : memref<200x128xf32, #tpu.memory_space<vmem>>, vector<1x16xf32>,
    } {sc.loop_unroll_factor = 4 : i64, sc.parallel_access}
    %add3A_195 = arith.constant 2 : i32
    %add3A_196 = arith.addi %mul3A_2, %add3A_195 : i32
    %dma_start3A_197 = arith.constant 0 : i32
    %dma_start3A_198 = arith.constant 0 : i32
    %dma_start3A_199 = tpu.memref_slice %arg8[%dma_start3A_197, %dma_start3A_198] : memref<200x128xf32, #tpu.memory_space<vmem>> -> memref<200x64xf32, #tpu.memory_space<vmem>>
    %dma_start3A_200 = arith.constant 0 : i32
    %dma_start3A_201 = arith.constant 0 : i32
    %dma_start3A_202 = tpu.memref_slice %arg4[%add3A_196, %dma_start3A_200, %dma_start3A_201] : memref<4096x200x128xf32, #tpu.memory_space<hbm>> -> memref<1x200x64xf32, #tpu.memory_space<hbm>>
    %dma_start3A_203 = tpu.memref_squeeze %dma_start3A_202 : memref<1x200x64xf32, #tpu.memory_space<hbm>> -> memref<200x64xf32, #tpu.memory_space<hbm>>
    %dma_start3A_204 = arith.constant 0 : i32
    %dma_start3A_205 = arith.constant 0 : i32
    %dma_start3A_206 = tpu.memref_slice %arg4[%add3A_196, %dma_start3A_204, %dma_start3A_205] : memref<4096x200x128xf32, #tpu.memory_space<hbm>> -> memref<1x200x64xf32, #tpu.memory_space<hbm>>
    %dma_start3A_207 = tpu.memref_squeeze %dma_start3A_206 : memref<1x200x64xf32, #tpu.memory_space<hbm>> -> memref<200x64xf32, #tpu.memory_space<hbm>>
    %dma_start3A_208 = arith.constant 0 : i32
    %dma_start3A_209 = arith.constant 0 : i32
    %dma_start3A_210 = tpu.memref_slice %arg8[%dma_start3A_208, %dma_start3A_209] : memref<200x128xf32, #tpu.memory_space<vmem>> -> memref<200x64xf32, #tpu.memory_space<vmem>>
    tpu.enqueue_dma source(%dma_start3A_210 : memref<200x64xf32, #tpu.memory_space<vmem>>) target(%dma_start3A_207 : memref<200x64xf32, #tpu.memory_space<hbm>>) target_semaphore(%arg14 : memref<!tpu.dma_semaphore, #tpu.memory_space<semaphore_mem>>)
    %dma_wait3A_211 = arith.constant 0 : i32
    %dma_wait3A_212 = arith.constant 0 : i32
    %dma_wait3A_213 = tpu.memref_slice %arg7[%dma_wait3A_211, %dma_wait3A_212] : memref<200x128xf32, #tpu.memory_space<vmem>> -> memref<200x64xf32, #tpu.memory_space<vmem>>
    %dma_wait3A_214 = arith.constant 0 : i32
    %dma_wait3A_215 = arith.constant 0 : i32
    %dma_wait3A_216 = tpu.memref_slice %arg4[%mul3A_2, %dma_wait3A_214, %dma_wait3A_215] : memref<4096x200x128xf32, #tpu.memory_space<hbm>> -> memref<1x200x64xf32, #tpu.memory_space<hbm>>
    %dma_wait3A_217 = tpu.memref_squeeze %dma_wait3A_216 : memref<1x200x64xf32, #tpu.memory_space<hbm>> -> memref<200x64xf32, #tpu.memory_space<hbm>>
    %dma_wait3A_218 = arith.constant 0 : i32
    %dma_wait3A_219 = arith.constant 0 : i32
    %dma_wait3A_220 = tpu.memref_slice %arg4[%mul3A_2, %dma_wait3A_218, %dma_wait3A_219] : memref<4096x200x128xf32, #tpu.memory_space<hbm>> -> memref<1x200x64xf32, #tpu.memory_space<hbm>>
    %dma_wait3A_221 = tpu.memref_squeeze %dma_wait3A_220 : memref<1x200x64xf32, #tpu.memory_space<hbm>> -> memref<200x64xf32, #tpu.memory_space<hbm>>
    %dma_wait3A_222 = arith.constant 0 : i32
    %dma_wait3A_223 = arith.constant 0 : i32
    %dma_wait3A_224 = tpu.memref_slice %arg7[%dma_wait3A_222, %dma_wait3A_223] : memref<200x128xf32, #tpu.memory_space<vmem>> -> memref<200x64xf32, #tpu.memory_space<vmem>>
    tpu.wait_dma2 semaphore(%arg13 : memref<!tpu.dma_semaphore, #tpu.memory_space<semaphore_mem>>) src(%dma_wait3A_224 : memref<200x64xf32, #tpu.memory_space<vmem>>) dst(%dma_wait3A_221 : memref<200x64xf32, #tpu.memory_space<hbm>>)
    %dma_start3A_225 = arith.constant 4 : i32
    %dma_start3A_226 = arith.constant 0 : i32
    %dma_start3A_227 = arith.constant 0 : i32
    %dma_start3A_228 = tpu.memref_slice %arg7[%dma_start3A_226, %dma_start3A_227] : memref<200x128xf32, #tpu.memory_space<vmem>> -> memref<128x128xf32, #tpu.memory_space<vmem>>
    %dma_start3A_229 = arith.constant 0 : i32
    %dma_start3A_230 = tpu.memref_slice %arg5[%dma_start3A_225, %dma_start3A_229] : memref<128x200xi32, #tpu.memory_space<vmem>> -> memref<1x128xi32, #tpu.memory_space<vmem>>
    %dma_start3A_231 = tpu.memref_squeeze %dma_start3A_230 : memref<1x128xi32, #tpu.memory_space<vmem>> -> memref<128xi32, #tpu.memory_space<vmem>>
    %dma_start3A_232 = arith.constant 0 : i32
    %dma_start3A_233 = arith.constant 0 : i32
    %dma_start3A_234 = tpu.memref_slice %arg3[%dma_start3A_232, %dma_start3A_233] : memref<1000000x128xf32, #tpu.memory_space<hbm>> -> memref<1000000x128xf32, #tpu.memory_space<hbm>>
    tpu.enqueue_indirect_dma source(%dma_start3A_234 : memref<1000000x128xf32, #tpu.memory_space<hbm>>) target(%dma_start3A_228 : memref<128x128xf32, #tpu.memory_space<vmem>>) offsets(%dma_start3A_231 : memref<128xi32, #tpu.memory_space<vmem>>) semaphore(%arg10 : memref<!tpu.dma_semaphore, #tpu.memory_space<semaphore_mem>>)
    %dma_start3A_235 = arith.constant 4 : i32
    %dma_start3A_236 = arith.constant 128 : i32
    %dma_start3A_237 = arith.constant 0 : i32
    %dma_start3A_238 = tpu.memref_slice %arg7[%dma_start3A_236, %dma_start3A_237] : memref<200x128xf32, #tpu.memory_space<vmem>> -> memref<72x128xf32, #tpu.memory_space<vmem>>
    %dma_start3A_239 = arith.constant 128 : i32
    %dma_start3A_240 = tpu.memref_slice %arg5[%dma_start3A_235, %dma_start3A_239] : memref<128x200xi32, #tpu.memory_space<vmem>> -> memref<1x72xi32, #tpu.memory_space<vmem>>
    %dma_start3A_241 = tpu.memref_squeeze %dma_start3A_240 : memref<1x72xi32, #tpu.memory_space<vmem>> -> memref<72xi32, #tpu.memory_space<vmem>>
    %dma_start3A_242 = arith.constant 0 : i32
    %dma_start3A_243 = arith.constant 0 : i32
    %dma_start3A_244 = tpu.memref_slice %arg3[%dma_start3A_242, %dma_start3A_243] : memref<1000000x128xf32, #tpu.memory_space<hbm>> -> memref<1000000x128xf32, #tpu.memory_space<hbm>>
    tpu.enqueue_indirect_dma source(%dma_start3A_244 : memref<1000000x128xf32, #tpu.memory_space<hbm>>) target(%dma_start3A_238 : memref<72x128xf32, #tpu.memory_space<vmem>>) offsets(%dma_start3A_241 : memref<72xi32, #tpu.memory_space<vmem>>) semaphore(%arg10 : memref<!tpu.dma_semaphore, #tpu.memory_space<semaphore_mem>>)
    %scan3A = arith.constant 0 : i32
    %scan3A_245 = arith.constant 41 : i32
    %scan3A_246 = arith.addi %scan3A, %scan3A_245 : i32
    %scan3A_247 = arith.constant 1 : i32
    scf.for %scan3A_369 = %scan3A to %scan3A_246 step %scan3A_247  : i32 {
      %mul3A_370 = arith.constant 3 : i32
      %mul3A_371 = arith.muli %scan3A_369, %mul3A_370 : i32
      %add3A_372 = arith.constant 3 : i32
      %add3A_373 = arith.addi %add3A_372, %mul3A_371 : i32
      %add3A_374 = arith.constant 0 : i32
      %add3A_375 = arith.addi %add3A_373, %add3A_374 : i32
      %dma_wait3A_376 = arith.constant 0 : i32
      %dma_wait3A_377 = arith.constant 0 : i32
      %dma_wait3A_378 = tpu.memref_slice %arg6[%dma_wait3A_376, %dma_wait3A_377] : memref<200x128xf32, #tpu.memory_space<vmem>> -> memref<128x128xf32, #tpu.memory_space<vmem>>
      %dma_wait3A_379 = arith.constant 0 : i32
      %dma_wait3A_380 = tpu.memref_slice %arg5[%add3A_375, %dma_wait3A_379] : memref<128x200xi32, #tpu.memory_space<vmem>> -> memref<1x128xi32, #tpu.memory_space<vmem>>
      %dma_wait3A_381 = tpu.memref_squeeze %dma_wait3A_380 : memref<1x128xi32, #tpu.memory_space<vmem>> -> memref<128xi32, #tpu.memory_space<vmem>>
      %dma_wait3A_382 = arith.constant 0 : i32
      %dma_wait3A_383 = arith.constant 0 : i32
      %dma_wait3A_384 = tpu.memref_slice %arg3[%dma_wait3A_382, %dma_wait3A_383] : memref<1000000x128xf32, #tpu.memory_space<hbm>> -> memref<1000000x128xf32, #tpu.memory_space<hbm>>
      tpu.wait_indirect_dma semaphore(%arg9 : memref<!tpu.dma_semaphore, #tpu.memory_space<semaphore_mem>>) src(%dma_wait3A_384 : memref<1000000x128xf32, #tpu.memory_space<hbm>>) dst(%dma_wait3A_378 : memref<128x128xf32, #tpu.memory_space<vmem>>)
      %dma_wait3A_385 = arith.constant 128 : i32
      %dma_wait3A_386 = arith.constant 0 : i32
      %dma_wait3A_387 = tpu.memref_slice %arg6[%dma_wait3A_385, %dma_wait3A_386] : memref<200x128xf32, #tpu.memory_space<vmem>> -> memref<72x128xf32, #tpu.memory_space<vmem>>
      %dma_wait3A_388 = arith.constant 128 : i32
      %dma_wait3A_389 = tpu.memref_slice %arg5[%add3A_375, %dma_wait3A_388] : memref<128x200xi32, #tpu.memory_space<vmem>> -> memref<1x72xi32, #tpu.memory_space<vmem>>
      %dma_wait3A_390 = tpu.memref_squeeze %dma_wait3A_389 : memref<1x72xi32, #tpu.memory_space<vmem>> -> memref<72xi32, #tpu.memory_space<vmem>>
      %dma_wait3A_391 = arith.constant 0 : i32
      %dma_wait3A_392 = arith.constant 0 : i32
      %dma_wait3A_393 = tpu.memref_slice %arg3[%dma_wait3A_391, %dma_wait3A_392] : memref<1000000x128xf32, #tpu.memory_space<hbm>> -> memref<1000000x128xf32, #tpu.memory_space<hbm>>
      tpu.wait_indirect_dma semaphore(%arg9 : memref<!tpu.dma_semaphore, #tpu.memory_space<semaphore_mem>>) src(%dma_wait3A_393 : memref<1000000x128xf32, #tpu.memory_space<hbm>>) dst(%dma_wait3A_387 : memref<72x128xf32, #tpu.memory_space<vmem>>)
      %parallel_loop3A_394 = arith.constant 0 : i32
      %parallel_loop3A_395 = arith.constant 200 : i32
      %parallel_loop3A_396 = arith.constant 1 : i32
      scf.for %parallel_loop3A_590 = %parallel_loop3A_394 to %parallel_loop3A_395 step %parallel_loop3A_396  : i32 {
        %parallel_loop3A_591 = arith.index_cast %parallel_loop3A_590 : i32 to index
        %parallel_loop3A_592 = arith.constant 0 : index
        %parallel_loop3A_593 = tpu.vector_load %arg6[%parallel_loop3A_591, %parallel_loop3A_592] {strides = array<i32>} : memref<200x128xf32, #tpu.memory_space<vmem>>, vector<1x16xf32>,
        %parallel_loop3A_594 = vector.shape_cast %parallel_loop3A_593 : vector<1x16xf32> to vector<16xf32>
        %parallel_loop3A_595 = arith.constant 8.000000e+00 : f32
        %parallel_loop3A_596 = vector.broadcast %parallel_loop3A_595 : f32 to vector<16xf32>
        %parallel_loop3A_597 = arith.mulf %parallel_loop3A_594, %parallel_loop3A_596 : vector<16xf32>
        %parallel_loop3A_598 = arith.index_cast %parallel_loop3A_590 : i32 to index
        %parallel_loop3A_599 = arith.constant 0 : index
        %parallel_loop3A_600 = tpu.vector_load %arg6[%parallel_loop3A_598, %parallel_loop3A_599] {strides = array<i32>} : memref<200x128xf32, #tpu.memory_space<vmem>>, vector<1x16xf32>,
        %parallel_loop3A_601 = vector.shape_cast %parallel_loop3A_600 : vector<1x16xf32> to vector<16xf32>
        %parallel_loop3A_602 = vector.shape_cast %parallel_loop3A_597 : vector<16xf32> to vector<1x16xf32>
        tpu.vector_store %arg6[%parallel_loop3A_598, %parallel_loop3A_599], %parallel_loop3A_602 {strides = array<i32>} : memref<200x128xf32, #tpu.memory_space<vmem>>, vector<1x16xf32>,
        %parallel_loop3A_603 = arith.index_cast %parallel_loop3A_590 : i32 to index
        %parallel_loop3A_604 = arith.constant 16 : index
        %parallel_loop3A_605 = tpu.vector_load %arg6[%parallel_loop3A_603, %parallel_loop3A_604] {strides = array<i32>} : memref<200x128xf32, #tpu.memory_space<vmem>>, vector<1x16xf32>,
        %parallel_loop3A_606 = vector.shape_cast %parallel_loop3A_605 : vector<1x16xf32> to vector<16xf32>
        %parallel_loop3A_607 = arith.constant 8.000000e+00 : f32
        %parallel_loop3A_608 = vector.broadcast %parallel_loop3A_607 : f32 to vector<16xf32>
        %parallel_loop3A_609 = arith.mulf %parallel_loop3A_606, %parallel_loop3A_608 : vector<16xf32>
        %parallel_loop3A_610 = arith.index_cast %parallel_loop3A_590 : i32 to index
        %parallel_loop3A_611 = arith.constant 16 : index
        %parallel_loop3A_612 = tpu.vector_load %arg6[%parallel_loop3A_610, %parallel_loop3A_611] {strides = array<i32>} : memref<200x128xf32, #tpu.memory_space<vmem>>, vector<1x16xf32>,
        %parallel_loop3A_613 = vector.shape_cast %parallel_loop3A_612 : vector<1x16xf32> to vector<16xf32>
        %parallel_loop3A_614 = vector.shape_cast %parallel_loop3A_609 : vector<16xf32> to vector<1x16xf32>
        tpu.vector_store %arg6[%parallel_loop3A_610, %parallel_loop3A_611], %parallel_loop3A_614 {strides = array<i32>} : memref<200x128xf32, #tpu.memory_space<vmem>>, vector<1x16xf32>,
        %parallel_loop3A_615 = arith.index_cast %parallel_loop3A_590 : i32 to index
        %parallel_loop3A_616 = arith.constant 32 : index
        %parallel_loop3A_617 = tpu.vector_load %arg6[%parallel_loop3A_615, %parallel_loop3A_616] {strides = array<i32>} : memref<200x128xf32, #tpu.memory_space<vmem>>, vector<1x16xf32>,
        %parallel_loop3A_618 = vector.shape_cast %parallel_loop3A_617 : vector<1x16xf32> to vector<16xf32>
        %parallel_loop3A_619 = arith.constant 8.000000e+00 : f32
        %parallel_loop3A_620 = vector.broadcast %parallel_loop3A_619 : f32 to vector<16xf32>
        %parallel_loop3A_621 = arith.mulf %parallel_loop3A_618, %parallel_loop3A_620 : vector<16xf32>
        %parallel_loop3A_622 = arith.index_cast %parallel_loop3A_590 : i32 to index
        %parallel_loop3A_623 = arith.constant 32 : index
        %parallel_loop3A_624 = tpu.vector_load %arg6[%parallel_loop3A_622, %parallel_loop3A_623] {strides = array<i32>} : memref<200x128xf32, #tpu.memory_space<vmem>>, vector<1x16xf32>,
        %parallel_loop3A_625 = vector.shape_cast %parallel_loop3A_624 : vector<1x16xf32> to vector<16xf32>
        %parallel_loop3A_626 = vector.shape_cast %parallel_loop3A_621 : vector<16xf32> to vector<1x16xf32>
        tpu.vector_store %arg6[%parallel_loop3A_622, %parallel_loop3A_623], %parallel_loop3A_626 {strides = array<i32>} : memref<200x128xf32, #tpu.memory_space<vmem>>, vector<1x16xf32>,
        %parallel_loop3A_627 = arith.index_cast %parallel_loop3A_590 : i32 to index
        %parallel_loop3A_628 = arith.constant 48 : index
        %parallel_loop3A_629 = tpu.vector_load %arg6[%parallel_loop3A_627, %parallel_loop3A_628] {strides = array<i32>} : memref<200x128xf32, #tpu.memory_space<vmem>>, vector<1x16xf32>,
        %parallel_loop3A_630 = vector.shape_cast %parallel_loop3A_629 : vector<1x16xf32> to vector<16xf32>
        %parallel_loop3A_631 = arith.constant 8.000000e+00 : f32
        %parallel_loop3A_632 = vector.broadcast %parallel_loop3A_631 : f32 to vector<16xf32>
        %parallel_loop3A_633 = arith.mulf %parallel_loop3A_630, %parallel_loop3A_632 : vector<16xf32>
        %parallel_loop3A_634 = arith.index_cast %parallel_loop3A_590 : i32 to index
        %parallel_loop3A_635 = arith.constant 48 : index
        %parallel_loop3A_636 = tpu.vector_load %arg6[%parallel_loop3A_634, %parallel_loop3A_635] {strides = array<i32>} : memref<200x128xf32, #tpu.memory_space<vmem>>, vector<1x16xf32>,
        %parallel_loop3A_637 = vector.shape_cast %parallel_loop3A_636 : vector<1x16xf32> to vector<16xf32>
        %parallel_loop3A_638 = vector.shape_cast %parallel_loop3A_633 : vector<16xf32> to vector<1x16xf32>
        tpu.vector_store %arg6[%parallel_loop3A_634, %parallel_loop3A_635], %parallel_loop3A_638 {strides = array<i32>} : memref<200x128xf32, #tpu.memory_space<vmem>>, vector<1x16xf32>,
      } {sc.loop_unroll_factor = 4 : i64, sc.parallel_access}
      %add3A_397 = arith.addi %mul3A_2, %add3A_375 : i32
      %dma_start3A_398 = arith.constant 0 : i32
      %dma_start3A_399 = arith.constant 0 : i32
      %dma_start3A_400 = tpu.memref_slice %arg6[%dma_start3A_398, %dma_start3A_399] : memref<200x128xf32, #tpu.memory_space<vmem>> -> memref<200x64xf32, #tpu.memory_space<vmem>>
      %dma_start3A_401 = arith.constant 0 : i32
      %dma_start3A_402 = arith.constant 0 : i32
      %dma_start3A_403 = tpu.memref_slice %arg4[%add3A_397, %dma_start3A_401, %dma_start3A_402] : memref<4096x200x128xf32, #tpu.memory_space<hbm>> -> memref<1x200x64xf32, #tpu.memory_space<hbm>>
      %dma_start3A_404 = tpu.memref_squeeze %dma_start3A_403 : memref<1x200x64xf32, #tpu.memory_space<hbm>> -> memref<200x64xf32, #tpu.memory_space<hbm>>
      %dma_start3A_405 = arith.constant 0 : i32
      %dma_start3A_406 = arith.constant 0 : i32
      %dma_start3A_407 = tpu.memref_slice %arg4[%add3A_397, %dma_start3A_405, %dma_start3A_406] : memref<4096x200x128xf32, #tpu.memory_space<hbm>> -> memref<1x200x64xf32, #tpu.memory_space<hbm>>
      %dma_start3A_408 = tpu.memref_squeeze %dma_start3A_407 : memref<1x200x64xf32, #tpu.memory_space<hbm>> -> memref<200x64xf32, #tpu.memory_space<hbm>>
      %dma_start3A_409 = arith.constant 0 : i32
      %dma_start3A_410 = arith.constant 0 : i32
      %dma_start3A_411 = tpu.memref_slice %arg6[%dma_start3A_409, %dma_start3A_410] : memref<200x128xf32, #tpu.memory_space<vmem>> -> memref<200x64xf32, #tpu.memory_space<vmem>>
      tpu.enqueue_dma source(%dma_start3A_411 : memref<200x64xf32, #tpu.memory_space<vmem>>) target(%dma_start3A_408 : memref<200x64xf32, #tpu.memory_space<hbm>>) target_semaphore(%arg12 : memref<!tpu.dma_semaphore, #tpu.memory_space<semaphore_mem>>)
      %dma_wait3A_412 = arith.constant 0 : i32
      %dma_wait3A_413 = arith.constant 0 : i32
      %dma_wait3A_414 = tpu.memref_slice %arg8[%dma_wait3A_412, %dma_wait3A_413] : memref<200x128xf32, #tpu.memory_space<vmem>> -> memref<200x64xf32, #tpu.memory_space<vmem>>
      %dma_wait3A_415 = arith.constant 0 : i32
      %dma_wait3A_416 = arith.constant 0 : i32
      %dma_wait3A_417 = tpu.memref_slice %arg4[%mul3A_2, %dma_wait3A_415, %dma_wait3A_416] : memref<4096x200x128xf32, #tpu.memory_space<hbm>> -> memref<1x200x64xf32, #tpu.memory_space<hbm>>
      %dma_wait3A_418 = tpu.memref_squeeze %dma_wait3A_417 : memref<1x200x64xf32, #tpu.memory_space<hbm>> -> memref<200x64xf32, #tpu.memory_space<hbm>>
      %dma_wait3A_419 = arith.constant 0 : i32
      %dma_wait3A_420 = arith.constant 0 : i32
      %dma_wait3A_421 = tpu.memref_slice %arg4[%mul3A_2, %dma_wait3A_419, %dma_wait3A_420] : memref<4096x200x128xf32, #tpu.memory_space<hbm>> -> memref<1x200x64xf32, #tpu.memory_space<hbm>>
      %dma_wait3A_422 = tpu.memref_squeeze %dma_wait3A_421 : memref<1x200x64xf32, #tpu.memory_space<hbm>> -> memref<200x64xf32, #tpu.memory_space<hbm>>
      %dma_wait3A_423 = arith.constant 0 : i32
      %dma_wait3A_424 = arith.constant 0 : i32
      %dma_wait3A_425 = tpu.memref_slice %arg8[%dma_wait3A_423, %dma_wait3A_424] : memref<200x128xf32, #tpu.memory_space<vmem>> -> memref<200x64xf32, #tpu.memory_space<vmem>>
      tpu.wait_dma2 semaphore(%arg14 : memref<!tpu.dma_semaphore, #tpu.memory_space<semaphore_mem>>) src(%dma_wait3A_425 : memref<200x64xf32, #tpu.memory_space<vmem>>) dst(%dma_wait3A_422 : memref<200x64xf32, #tpu.memory_space<hbm>>)
      %add3A_426 = arith.constant 2 : i32
      %add3A_427 = arith.addi %add3A_375, %add3A_426 : i32
      %dma_start3A_428 = arith.constant 0 : i32
      %dma_start3A_429 = arith.constant 0 : i32
      %dma_start3A_430 = tpu.memref_slice %arg8[%dma_start3A_428, %dma_start3A_429] : memref<200x128xf32, #tpu.memory_space<vmem>> -> memref<128x128xf32, #tpu.memory_space<vmem>>
      %dma_start3A_431 = arith.constant 0 : i32
      %dma_start3A_432 = tpu.memref_slice %arg5[%add3A_427, %dma_start3A_431] : memref<128x200xi32, #tpu.memory_space<vmem>> -> memref<1x128xi32, #tpu.memory_space<vmem>>
      %dma_start3A_433 = tpu.memref_squeeze %dma_start3A_432 : memref<1x128xi32, #tpu.memory_space<vmem>> -> memref<128xi32, #tpu.memory_space<vmem>>
      %dma_start3A_434 = arith.constant 0 : i32
      %dma_start3A_435 = arith.constant 0 : i32
      %dma_start3A_436 = tpu.memref_slice %arg3[%dma_start3A_434, %dma_start3A_435] : memref<1000000x128xf32, #tpu.memory_space<hbm>> -> memref<1000000x128xf32, #tpu.memory_space<hbm>>
      tpu.enqueue_indirect_dma source(%dma_start3A_436 : memref<1000000x128xf32, #tpu.memory_space<hbm>>) target(%dma_start3A_430 : memref<128x128xf32, #tpu.memory_space<vmem>>) offsets(%dma_start3A_433 : memref<128xi32, #tpu.memory_space<vmem>>) semaphore(%arg11 : memref<!tpu.dma_semaphore, #tpu.memory_space<semaphore_mem>>)
      %dma_start3A_437 = arith.constant 128 : i32
      %dma_start3A_438 = arith.constant 0 : i32
      %dma_start3A_439 = tpu.memref_slice %arg8[%dma_start3A_437, %dma_start3A_438] : memref<200x128xf32, #tpu.memory_space<vmem>> -> memref<72x128xf32, #tpu.memory_space<vmem>>
      %dma_start3A_440 = arith.constant 128 : i32
      %dma_start3A_441 = tpu.memref_slice %arg5[%add3A_427, %dma_start3A_440] : memref<128x200xi32, #tpu.memory_space<vmem>> -> memref<1x72xi32, #tpu.memory_space<vmem>>
      %dma_start3A_442 = tpu.memref_squeeze %dma_start3A_441 : memref<1x72xi32, #tpu.memory_space<vmem>> -> memref<72xi32, #tpu.memory_space<vmem>>
      %dma_start3A_443 = arith.constant 0 : i32
      %dma_start3A_444 = arith.constant 0 : i32
      %dma_start3A_445 = tpu.memref_slice %arg3[%dma_start3A_443, %dma_start3A_444] : memref<1000000x128xf32, #tpu.memory_space<hbm>> -> memref<1000000x128xf32, #tpu.memory_space<hbm>>
      tpu.enqueue_indirect_dma source(%dma_start3A_445 : memref<1000000x128xf32, #tpu.memory_space<hbm>>) target(%dma_start3A_439 : memref<72x128xf32, #tpu.memory_space<vmem>>) offsets(%dma_start3A_442 : memref<72xi32, #tpu.memory_space<vmem>>) semaphore(%arg11 : memref<!tpu.dma_semaphore, #tpu.memory_space<semaphore_mem>>)
      %add3A_446 = arith.constant 1 : i32
      %add3A_447 = arith.addi %add3A_373, %add3A_446 : i32
      %dma_wait3A_448 = arith.constant 0 : i32
      %dma_wait3A_449 = arith.constant 0 : i32
      %dma_wait3A_450 = tpu.memref_slice %arg7[%dma_wait3A_448, %dma_wait3A_449] : memref<200x128xf32, #tpu.memory_space<vmem>> -> memref<128x128xf32, #tpu.memory_space<vmem>>
      %dma_wait3A_451 = arith.constant 0 : i32
      %dma_wait3A_452 = tpu.memref_slice %arg5[%add3A_447, %dma_wait3A_451] : memref<128x200xi32, #tpu.memory_space<vmem>> -> memref<1x128xi32, #tpu.memory_space<vmem>>
      %dma_wait3A_453 = tpu.memref_squeeze %dma_wait3A_452 : memref<1x128xi32, #tpu.memory_space<vmem>> -> memref<128xi32, #tpu.memory_space<vmem>>
      %dma_wait3A_454 = arith.constant 0 : i32
      %dma_wait3A_455 = arith.constant 0 : i32
      %dma_wait3A_456 = tpu.memref_slice %arg3[%dma_wait3A_454, %dma_wait3A_455] : memref<1000000x128xf32, #tpu.memory_space<hbm>> -> memref<1000000x128xf32, #tpu.memory_space<hbm>>
      tpu.wait_indirect_dma semaphore(%arg10 : memref<!tpu.dma_semaphore, #tpu.memory_space<semaphore_mem>>) src(%dma_wait3A_456 : memref<1000000x128xf32, #tpu.memory_space<hbm>>) dst(%dma_wait3A_450 : memref<128x128xf32, #tpu.memory_space<vmem>>)
      %dma_wait3A_457 = arith.constant 128 : i32
      %dma_wait3A_458 = arith.constant 0 : i32
      %dma_wait3A_459 = tpu.memref_slice %arg7[%dma_wait3A_457, %dma_wait3A_458] : memref<200x128xf32, #tpu.memory_space<vmem>> -> memref<72x128xf32, #tpu.memory_space<vmem>>
      %dma_wait3A_460 = arith.constant 128 : i32
      %dma_wait3A_461 = tpu.memref_slice %arg5[%add3A_447, %dma_wait3A_460] : memref<128x200xi32, #tpu.memory_space<vmem>> -> memref<1x72xi32, #tpu.memory_space<vmem>>
      %dma_wait3A_462 = tpu.memref_squeeze %dma_wait3A_461 : memref<1x72xi32, #tpu.memory_space<vmem>> -> memref<72xi32, #tpu.memory_space<vmem>>
      %dma_wait3A_463 = arith.constant 0 : i32
      %dma_wait3A_464 = arith.constant 0 : i32
      %dma_wait3A_465 = tpu.memref_slice %arg3[%dma_wait3A_463, %dma_wait3A_464] : memref<1000000x128xf32, #tpu.memory_space<hbm>> -> memref<1000000x128xf32, #tpu.memory_space<hbm>>
      tpu.wait_indirect_dma semaphore(%arg10 : memref<!tpu.dma_semaphore, #tpu.memory_space<semaphore_mem>>) src(%dma_wait3A_465 : memref<1000000x128xf32, #tpu.memory_space<hbm>>) dst(%dma_wait3A_459 : memref<72x128xf32, #tpu.memory_space<vmem>>)
      %parallel_loop3A_466 = arith.constant 0 : i32
      %parallel_loop3A_467 = arith.constant 200 : i32
      %parallel_loop3A_468 = arith.constant 1 : i32
      scf.for %parallel_loop3A_590 = %parallel_loop3A_466 to %parallel_loop3A_467 step %parallel_loop3A_468  : i32 {
        %parallel_loop3A_591 = arith.index_cast %parallel_loop3A_590 : i32 to index
        %parallel_loop3A_592 = arith.constant 0 : index
        %parallel_loop3A_593 = tpu.vector_load %arg7[%parallel_loop3A_591, %parallel_loop3A_592] {strides = array<i32>} : memref<200x128xf32, #tpu.memory_space<vmem>>, vector<1x16xf32>,
        %parallel_loop3A_594 = vector.shape_cast %parallel_loop3A_593 : vector<1x16xf32> to vector<16xf32>
        %parallel_loop3A_595 = arith.constant 8.000000e+00 : f32
        %parallel_loop3A_596 = vector.broadcast %parallel_loop3A_595 : f32 to vector<16xf32>
        %parallel_loop3A_597 = arith.mulf %parallel_loop3A_594, %parallel_loop3A_596 : vector<16xf32>
        %parallel_loop3A_598 = arith.index_cast %parallel_loop3A_590 : i32 to index
        %parallel_loop3A_599 = arith.constant 0 : index
        %parallel_loop3A_600 = tpu.vector_load %arg7[%parallel_loop3A_598, %parallel_loop3A_599] {strides = array<i32>} : memref<200x128xf32, #tpu.memory_space<vmem>>, vector<1x16xf32>,
        %parallel_loop3A_601 = vector.shape_cast %parallel_loop3A_600 : vector<1x16xf32> to vector<16xf32>
        %parallel_loop3A_602 = vector.shape_cast %parallel_loop3A_597 : vector<16xf32> to vector<1x16xf32>
        tpu.vector_store %arg7[%parallel_loop3A_598, %parallel_loop3A_599], %parallel_loop3A_602 {strides = array<i32>} : memref<200x128xf32, #tpu.memory_space<vmem>>, vector<1x16xf32>,
        %parallel_loop3A_603 = arith.index_cast %parallel_loop3A_590 : i32 to index
        %parallel_loop3A_604 = arith.constant 16 : index
        %parallel_loop3A_605 = tpu.vector_load %arg7[%parallel_loop3A_603, %parallel_loop3A_604] {strides = array<i32>} : memref<200x128xf32, #tpu.memory_space<vmem>>, vector<1x16xf32>,
        %parallel_loop3A_606 = vector.shape_cast %parallel_loop3A_605 : vector<1x16xf32> to vector<16xf32>
        %parallel_loop3A_607 = arith.constant 8.000000e+00 : f32
        %parallel_loop3A_608 = vector.broadcast %parallel_loop3A_607 : f32 to vector<16xf32>
        %parallel_loop3A_609 = arith.mulf %parallel_loop3A_606, %parallel_loop3A_608 : vector<16xf32>
        %parallel_loop3A_610 = arith.index_cast %parallel_loop3A_590 : i32 to index
        %parallel_loop3A_611 = arith.constant 16 : index
        %parallel_loop3A_612 = tpu.vector_load %arg7[%parallel_loop3A_610, %parallel_loop3A_611] {strides = array<i32>} : memref<200x128xf32, #tpu.memory_space<vmem>>, vector<1x16xf32>,
        %parallel_loop3A_613 = vector.shape_cast %parallel_loop3A_612 : vector<1x16xf32> to vector<16xf32>
        %parallel_loop3A_614 = vector.shape_cast %parallel_loop3A_609 : vector<16xf32> to vector<1x16xf32>
        tpu.vector_store %arg7[%parallel_loop3A_610, %parallel_loop3A_611], %parallel_loop3A_614 {strides = array<i32>} : memref<200x128xf32, #tpu.memory_space<vmem>>, vector<1x16xf32>,
        %parallel_loop3A_615 = arith.index_cast %parallel_loop3A_590 : i32 to index
        %parallel_loop3A_616 = arith.constant 32 : index
        %parallel_loop3A_617 = tpu.vector_load %arg7[%parallel_loop3A_615, %parallel_loop3A_616] {strides = array<i32>} : memref<200x128xf32, #tpu.memory_space<vmem>>, vector<1x16xf32>,
        %parallel_loop3A_618 = vector.shape_cast %parallel_loop3A_617 : vector<1x16xf32> to vector<16xf32>
        %parallel_loop3A_619 = arith.constant 8.000000e+00 : f32
        %parallel_loop3A_620 = vector.broadcast %parallel_loop3A_619 : f32 to vector<16xf32>
        %parallel_loop3A_621 = arith.mulf %parallel_loop3A_618, %parallel_loop3A_620 : vector<16xf32>
        %parallel_loop3A_622 = arith.index_cast %parallel_loop3A_590 : i32 to index
        %parallel_loop3A_623 = arith.constant 32 : index
        %parallel_loop3A_624 = tpu.vector_load %arg7[%parallel_loop3A_622, %parallel_loop3A_623] {strides = array<i32>} : memref<200x128xf32, #tpu.memory_space<vmem>>, vector<1x16xf32>,
        %parallel_loop3A_625 = vector.shape_cast %parallel_loop3A_624 : vector<1x16xf32> to vector<16xf32>
        %parallel_loop3A_626 = vector.shape_cast %parallel_loop3A_621 : vector<16xf32> to vector<1x16xf32>
        tpu.vector_store %arg7[%parallel_loop3A_622, %parallel_loop3A_623], %parallel_loop3A_626 {strides = array<i32>} : memref<200x128xf32, #tpu.memory_space<vmem>>, vector<1x16xf32>,
        %parallel_loop3A_627 = arith.index_cast %parallel_loop3A_590 : i32 to index
        %parallel_loop3A_628 = arith.constant 48 : index
        %parallel_loop3A_629 = tpu.vector_load %arg7[%parallel_loop3A_627, %parallel_loop3A_628] {strides = array<i32>} : memref<200x128xf32, #tpu.memory_space<vmem>>, vector<1x16xf32>,
        %parallel_loop3A_630 = vector.shape_cast %parallel_loop3A_629 : vector<1x16xf32> to vector<16xf32>
        %parallel_loop3A_631 = arith.constant 8.000000e+00 : f32
        %parallel_loop3A_632 = vector.broadcast %parallel_loop3A_631 : f32 to vector<16xf32>
        %parallel_loop3A_633 = arith.mulf %parallel_loop3A_630, %parallel_loop3A_632 : vector<16xf32>
        %parallel_loop3A_634 = arith.index_cast %parallel_loop3A_590 : i32 to index
        %parallel_loop3A_635 = arith.constant 48 : index
        %parallel_loop3A_636 = tpu.vector_load %arg7[%parallel_loop3A_634, %parallel_loop3A_635] {strides = array<i32>} : memref<200x128xf32, #tpu.memory_space<vmem>>, vector<1x16xf32>,
        %parallel_loop3A_637 = vector.shape_cast %parallel_loop3A_636 : vector<1x16xf32> to vector<16xf32>
        %parallel_loop3A_638 = vector.shape_cast %parallel_loop3A_633 : vector<16xf32> to vector<1x16xf32>
        tpu.vector_store %arg7[%parallel_loop3A_634, %parallel_loop3A_635], %parallel_loop3A_638 {strides = array<i32>} : memref<200x128xf32, #tpu.memory_space<vmem>>, vector<1x16xf32>,
      } {sc.loop_unroll_factor = 4 : i64, sc.parallel_access}
      %add3A_469 = arith.addi %mul3A_2, %add3A_447 : i32
      %dma_start3A_470 = arith.constant 0 : i32
      %dma_start3A_471 = arith.constant 0 : i32
      %dma_start3A_472 = tpu.memref_slice %arg7[%dma_start3A_470, %dma_start3A_471] : memref<200x128xf32, #tpu.memory_space<vmem>> -> memref<200x64xf32, #tpu.memory_space<vmem>>
      %dma_start3A_473 = arith.constant 0 : i32
      %dma_start3A_474 = arith.constant 0 : i32
      %dma_start3A_475 = tpu.memref_slice %arg4[%add3A_469, %dma_start3A_473, %dma_start3A_474] : memref<4096x200x128xf32, #tpu.memory_space<hbm>> -> memref<1x200x64xf32, #tpu.memory_space<hbm>>
      %dma_start3A_476 = tpu.memref_squeeze %dma_start3A_475 : memref<1x200x64xf32, #tpu.memory_space<hbm>> -> memref<200x64xf32, #tpu.memory_space<hbm>>
      %dma_start3A_477 = arith.constant 0 : i32
      %dma_start3A_478 = arith.constant 0 : i32
      %dma_start3A_479 = tpu.memref_slice %arg4[%add3A_469, %dma_start3A_477, %dma_start3A_478] : memref<4096x200x128xf32, #tpu.memory_space<hbm>> -> memref<1x200x64xf32, #tpu.memory_space<hbm>>
      %dma_start3A_480 = tpu.memref_squeeze %dma_start3A_479 : memref<1x200x64xf32, #tpu.memory_space<hbm>> -> memref<200x64xf32, #tpu.memory_space<hbm>>
      %dma_start3A_481 = arith.constant 0 : i32
      %dma_start3A_482 = arith.constant 0 : i32
      %dma_start3A_483 = tpu.memref_slice %arg7[%dma_start3A_481, %dma_start3A_482] : memref<200x128xf32, #tpu.memory_space<vmem>> -> memref<200x64xf32, #tpu.memory_space<vmem>>
      tpu.enqueue_dma source(%dma_start3A_483 : memref<200x64xf32, #tpu.memory_space<vmem>>) target(%dma_start3A_480 : memref<200x64xf32, #tpu.memory_space<hbm>>) target_semaphore(%arg13 : memref<!tpu.dma_semaphore, #tpu.memory_space<semaphore_mem>>)
      %dma_wait3A_484 = arith.constant 0 : i32
      %dma_wait3A_485 = arith.constant 0 : i32
      %dma_wait3A_486 = tpu.memref_slice %arg6[%dma_wait3A_484, %dma_wait3A_485] : memref<200x128xf32, #tpu.memory_space<vmem>> -> memref<200x64xf32, #tpu.memory_space<vmem>>
      %dma_wait3A_487 = arith.constant 0 : i32
      %dma_wait3A_488 = arith.constant 0 : i32
      %dma_wait3A_489 = tpu.memref_slice %arg4[%mul3A_2, %dma_wait3A_487, %dma_wait3A_488] : memref<4096x200x128xf32, #tpu.memory_space<hbm>> -> memref<1x200x64xf32, #tpu.memory_space<hbm>>
      %dma_wait3A_490 = tpu.memref_squeeze %dma_wait3A_489 : memref<1x200x64xf32, #tpu.memory_space<hbm>> -> memref<200x64xf32, #tpu.memory_space<hbm>>
      %dma_wait3A_491 = arith.constant 0 : i32
      %dma_wait3A_492 = arith.constant 0 : i32
      %dma_wait3A_493 = tpu.memref_slice %arg4[%mul3A_2, %dma_wait3A_491, %dma_wait3A_492] : memref<4096x200x128xf32, #tpu.memory_space<hbm>> -> memref<1x200x64xf32, #tpu.memory_space<hbm>>
      %dma_wait3A_494 = tpu.memref_squeeze %dma_wait3A_493 : memref<1x200x64xf32, #tpu.memory_space<hbm>> -> memref<200x64xf32, #tpu.memory_space<hbm>>
      %dma_wait3A_495 = arith.constant 0 : i32
      %dma_wait3A_496 = arith.constant 0 : i32
      %dma_wait3A_497 = tpu.memref_slice %arg6[%dma_wait3A_495, %dma_wait3A_496] : memref<200x128xf32, #tpu.memory_space<vmem>> -> memref<200x64xf32, #tpu.memory_space<vmem>>
      tpu.wait_dma2 semaphore(%arg12 : memref<!tpu.dma_semaphore, #tpu.memory_space<semaphore_mem>>) src(%dma_wait3A_497 : memref<200x64xf32, #tpu.memory_space<vmem>>) dst(%dma_wait3A_494 : memref<200x64xf32, #tpu.memory_space<hbm>>)
      %add3A_498 = arith.constant 2 : i32
      %add3A_499 = arith.addi %add3A_447, %add3A_498 : i32
      %dma_start3A_500 = arith.constant 0 : i32
      %dma_start3A_501 = arith.constant 0 : i32
      %dma_start3A_502 = tpu.memref_slice %arg6[%dma_start3A_500, %dma_start3A_501] : memref<200x128xf32, #tpu.memory_space<vmem>> -> memref<128x128xf32, #tpu.memory_space<vmem>>
      %dma_start3A_503 = arith.constant 0 : i32
      %dma_start3A_504 = tpu.memref_slice %arg5[%add3A_499, %dma_start3A_503] : memref<128x200xi32, #tpu.memory_space<vmem>> -> memref<1x128xi32, #tpu.memory_space<vmem>>
      %dma_start3A_505 = tpu.memref_squeeze %dma_start3A_504 : memref<1x128xi32, #tpu.memory_space<vmem>> -> memref<128xi32, #tpu.memory_space<vmem>>
      %dma_start3A_506 = arith.constant 0 : i32
      %dma_start3A_507 = arith.constant 0 : i32
      %dma_start3A_508 = tpu.memref_slice %arg3[%dma_start3A_506, %dma_start3A_507] : memref<1000000x128xf32, #tpu.memory_space<hbm>> -> memref<1000000x128xf32, #tpu.memory_space<hbm>>
      tpu.enqueue_indirect_dma source(%dma_start3A_508 : memref<1000000x128xf32, #tpu.memory_space<hbm>>) target(%dma_start3A_502 : memref<128x128xf32, #tpu.memory_space<vmem>>) offsets(%dma_start3A_505 : memref<128xi32, #tpu.memory_space<vmem>>) semaphore(%arg9 : memref<!tpu.dma_semaphore, #tpu.memory_space<semaphore_mem>>)
      %dma_start3A_509 = arith.constant 128 : i32
      %dma_start3A_510 = arith.constant 0 : i32
      %dma_start3A_511 = tpu.memref_slice %arg6[%dma_start3A_509, %dma_start3A_510] : memref<200x128xf32, #tpu.memory_space<vmem>> -> memref<72x128xf32, #tpu.memory_space<vmem>>
      %dma_start3A_512 = arith.constant 128 : i32
      %dma_start3A_513 = tpu.memref_slice %arg5[%add3A_499, %dma_start3A_512] : memref<128x200xi32, #tpu.memory_space<vmem>> -> memref<1x72xi32, #tpu.memory_space<vmem>>
      %dma_start3A_514 = tpu.memref_squeeze %dma_start3A_513 : memref<1x72xi32, #tpu.memory_space<vmem>> -> memref<72xi32, #tpu.memory_space<vmem>>
      %dma_start3A_515 = arith.constant 0 : i32
      %dma_start3A_516 = arith.constant 0 : i32
      %dma_start3A_517 = tpu.memref_slice %arg3[%dma_start3A_515, %dma_start3A_516] : memref<1000000x128xf32, #tpu.memory_space<hbm>> -> memref<1000000x128xf32, #tpu.memory_space<hbm>>
      tpu.enqueue_indirect_dma source(%dma_start3A_517 : memref<1000000x128xf32, #tpu.memory_space<hbm>>) target(%dma_start3A_511 : memref<72x128xf32, #tpu.memory_space<vmem>>) offsets(%dma_start3A_514 : memref<72xi32, #tpu.memory_space<vmem>>) semaphore(%arg9 : memref<!tpu.dma_semaphore, #tpu.memory_space<semaphore_mem>>)
      %add3A_518 = arith.constant 2 : i32
      %add3A_519 = arith.addi %add3A_373, %add3A_518 : i32
      %dma_wait3A_520 = arith.constant 0 : i32
      %dma_wait3A_521 = arith.constant 0 : i32
      %dma_wait3A_522 = tpu.memref_slice %arg8[%dma_wait3A_520, %dma_wait3A_521] : memref<200x128xf32, #tpu.memory_space<vmem>> -> memref<128x128xf32, #tpu.memory_space<vmem>>
      %dma_wait3A_523 = arith.constant 0 : i32
      %dma_wait3A_524 = tpu.memref_slice %arg5[%add3A_519, %dma_wait3A_523] : memref<128x200xi32, #tpu.memory_space<vmem>> -> memref<1x128xi32, #tpu.memory_space<vmem>>
      %dma_wait3A_525 = tpu.memref_squeeze %dma_wait3A_524 : memref<1x128xi32, #tpu.memory_space<vmem>> -> memref<128xi32, #tpu.memory_space<vmem>>
      %dma_wait3A_526 = arith.constant 0 : i32
      %dma_wait3A_527 = arith.constant 0 : i32
      %dma_wait3A_528 = tpu.memref_slice %arg3[%dma_wait3A_526, %dma_wait3A_527] : memref<1000000x128xf32, #tpu.memory_space<hbm>> -> memref<1000000x128xf32, #tpu.memory_space<hbm>>
      tpu.wait_indirect_dma semaphore(%arg11 : memref<!tpu.dma_semaphore, #tpu.memory_space<semaphore_mem>>) src(%dma_wait3A_528 : memref<1000000x128xf32, #tpu.memory_space<hbm>>) dst(%dma_wait3A_522 : memref<128x128xf32, #tpu.memory_space<vmem>>)
      %dma_wait3A_529 = arith.constant 128 : i32
      %dma_wait3A_530 = arith.constant 0 : i32
      %dma_wait3A_531 = tpu.memref_slice %arg8[%dma_wait3A_529, %dma_wait3A_530] : memref<200x128xf32, #tpu.memory_space<vmem>> -> memref<72x128xf32, #tpu.memory_space<vmem>>
      %dma_wait3A_532 = arith.constant 128 : i32
      %dma_wait3A_533 = tpu.memref_slice %arg5[%add3A_519, %dma_wait3A_532] : memref<128x200xi32, #tpu.memory_space<vmem>> -> memref<1x72xi32, #tpu.memory_space<vmem>>
      %dma_wait3A_534 = tpu.memref_squeeze %dma_wait3A_533 : memref<1x72xi32, #tpu.memory_space<vmem>> -> memref<72xi32, #tpu.memory_space<vmem>>
      %dma_wait3A_535 = arith.constant 0 : i32
      %dma_wait3A_536 = arith.constant 0 : i32
      %dma_wait3A_537 = tpu.memref_slice %arg3[%dma_wait3A_535, %dma_wait3A_536] : memref<1000000x128xf32, #tpu.memory_space<hbm>> -> memref<1000000x128xf32, #tpu.memory_space<hbm>>
      tpu.wait_indirect_dma semaphore(%arg11 : memref<!tpu.dma_semaphore, #tpu.memory_space<semaphore_mem>>) src(%dma_wait3A_537 : memref<1000000x128xf32, #tpu.memory_space<hbm>>) dst(%dma_wait3A_531 : memref<72x128xf32, #tpu.memory_space<vmem>>)
      %parallel_loop3A_538 = arith.constant 0 : i32
      %parallel_loop3A_539 = arith.constant 200 : i32
      %parallel_loop3A_540 = arith.constant 1 : i32
      scf.for %parallel_loop3A_590 = %parallel_loop3A_538 to %parallel_loop3A_539 step %parallel_loop3A_540  : i32 {
        %parallel_loop3A_591 = arith.index_cast %parallel_loop3A_590 : i32 to index
        %parallel_loop3A_592 = arith.constant 0 : index
        %parallel_loop3A_593 = tpu.vector_load %arg8[%parallel_loop3A_591, %parallel_loop3A_592] {strides = array<i32>} : memref<200x128xf32, #tpu.memory_space<vmem>>, vector<1x16xf32>,
        %parallel_loop3A_594 = vector.shape_cast %parallel_loop3A_593 : vector<1x16xf32> to vector<16xf32>
        %parallel_loop3A_595 = arith.constant 8.000000e+00 : f32
        %parallel_loop3A_596 = vector.broadcast %parallel_loop3A_595 : f32 to vector<16xf32>
        %parallel_loop3A_597 = arith.mulf %parallel_loop3A_594, %parallel_loop3A_596 : vector<16xf32>
        %parallel_loop3A_598 = arith.index_cast %parallel_loop3A_590 : i32 to index
        %parallel_loop3A_599 = arith.constant 0 : index
        %parallel_loop3A_600 = tpu.vector_load %arg8[%parallel_loop3A_598, %parallel_loop3A_599] {strides = array<i32>} : memref<200x128xf32, #tpu.memory_space<vmem>>, vector<1x16xf32>,
        %parallel_loop3A_601 = vector.shape_cast %parallel_loop3A_600 : vector<1x16xf32> to vector<16xf32>
        %parallel_loop3A_602 = vector.shape_cast %parallel_loop3A_597 : vector<16xf32> to vector<1x16xf32>
        tpu.vector_store %arg8[%parallel_loop3A_598, %parallel_loop3A_599], %parallel_loop3A_602 {strides = array<i32>} : memref<200x128xf32, #tpu.memory_space<vmem>>, vector<1x16xf32>,
        %parallel_loop3A_603 = arith.index_cast %parallel_loop3A_590 : i32 to index
        %parallel_loop3A_604 = arith.constant 16 : index
        %parallel_loop3A_605 = tpu.vector_load %arg8[%parallel_loop3A_603, %parallel_loop3A_604] {strides = array<i32>} : memref<200x128xf32, #tpu.memory_space<vmem>>, vector<1x16xf32>,
        %parallel_loop3A_606 = vector.shape_cast %parallel_loop3A_605 : vector<1x16xf32> to vector<16xf32>
        %parallel_loop3A_607 = arith.constant 8.000000e+00 : f32
        %parallel_loop3A_608 = vector.broadcast %parallel_loop3A_607 : f32 to vector<16xf32>
        %parallel_loop3A_609 = arith.mulf %parallel_loop3A_606, %parallel_loop3A_608 : vector<16xf32>
        %parallel_loop3A_610 = arith.index_cast %parallel_loop3A_590 : i32 to index
        %parallel_loop3A_611 = arith.constant 16 : index
        %parallel_loop3A_612 = tpu.vector_load %arg8[%parallel_loop3A_610, %parallel_loop3A_611] {strides = array<i32>} : memref<200x128xf32, #tpu.memory_space<vmem>>, vector<1x16xf32>,
        %parallel_loop3A_613 = vector.shape_cast %parallel_loop3A_612 : vector<1x16xf32> to vector<16xf32>
        %parallel_loop3A_614 = vector.shape_cast %parallel_loop3A_609 : vector<16xf32> to vector<1x16xf32>
        tpu.vector_store %arg8[%parallel_loop3A_610, %parallel_loop3A_611], %parallel_loop3A_614 {strides = array<i32>} : memref<200x128xf32, #tpu.memory_space<vmem>>, vector<1x16xf32>,
        %parallel_loop3A_615 = arith.index_cast %parallel_loop3A_590 : i32 to index
        %parallel_loop3A_616 = arith.constant 32 : index
        %parallel_loop3A_617 = tpu.vector_load %arg8[%parallel_loop3A_615, %parallel_loop3A_616] {strides = array<i32>} : memref<200x128xf32, #tpu.memory_space<vmem>>, vector<1x16xf32>,
        %parallel_loop3A_618 = vector.shape_cast %parallel_loop3A_617 : vector<1x16xf32> to vector<16xf32>
        %parallel_loop3A_619 = arith.constant 8.000000e+00 : f32
        %parallel_loop3A_620 = vector.broadcast %parallel_loop3A_619 : f32 to vector<16xf32>
        %parallel_loop3A_621 = arith.mulf %parallel_loop3A_618, %parallel_loop3A_620 : vector<16xf32>
        %parallel_loop3A_622 = arith.index_cast %parallel_loop3A_590 : i32 to index
        %parallel_loop3A_623 = arith.constant 32 : index
        %parallel_loop3A_624 = tpu.vector_load %arg8[%parallel_loop3A_622, %parallel_loop3A_623] {strides = array<i32>} : memref<200x128xf32, #tpu.memory_space<vmem>>, vector<1x16xf32>,
        %parallel_loop3A_625 = vector.shape_cast %parallel_loop3A_624 : vector<1x16xf32> to vector<16xf32>
        %parallel_loop3A_626 = vector.shape_cast %parallel_loop3A_621 : vector<16xf32> to vector<1x16xf32>
        tpu.vector_store %arg8[%parallel_loop3A_622, %parallel_loop3A_623], %parallel_loop3A_626 {strides = array<i32>} : memref<200x128xf32, #tpu.memory_space<vmem>>, vector<1x16xf32>,
        %parallel_loop3A_627 = arith.index_cast %parallel_loop3A_590 : i32 to index
        %parallel_loop3A_628 = arith.constant 48 : index
        %parallel_loop3A_629 = tpu.vector_load %arg8[%parallel_loop3A_627, %parallel_loop3A_628] {strides = array<i32>} : memref<200x128xf32, #tpu.memory_space<vmem>>, vector<1x16xf32>,
        %parallel_loop3A_630 = vector.shape_cast %parallel_loop3A_629 : vector<1x16xf32> to vector<16xf32>
        %parallel_loop3A_631 = arith.constant 8.000000e+00 : f32
        %parallel_loop3A_632 = vector.broadcast %parallel_loop3A_631 : f32 to vector<16xf32>
        %parallel_loop3A_633 = arith.mulf %parallel_loop3A_630, %parallel_loop3A_632 : vector<16xf32>
        %parallel_loop3A_634 = arith.index_cast %parallel_loop3A_590 : i32 to index
        %parallel_loop3A_635 = arith.constant 48 : index
        %parallel_loop3A_636 = tpu.vector_load %arg8[%parallel_loop3A_634, %parallel_loop3A_635] {strides = array<i32>} : memref<200x128xf32, #tpu.memory_space<vmem>>, vector<1x16xf32>,
        %parallel_loop3A_637 = vector.shape_cast %parallel_loop3A_636 : vector<1x16xf32> to vector<16xf32>
        %parallel_loop3A_638 = vector.shape_cast %parallel_loop3A_633 : vector<16xf32> to vector<1x16xf32>
        tpu.vector_store %arg8[%parallel_loop3A_634, %parallel_loop3A_635], %parallel_loop3A_638 {strides = array<i32>} : memref<200x128xf32, #tpu.memory_space<vmem>>, vector<1x16xf32>,
      } {sc.loop_unroll_factor = 4 : i64, sc.parallel_access}
      %add3A_541 = arith.addi %mul3A_2, %add3A_519 : i32
      %dma_start3A_542 = arith.constant 0 : i32
      %dma_start3A_543 = arith.constant 0 : i32
      %dma_start3A_544 = tpu.memref_slice %arg8[%dma_start3A_542, %dma_start3A_543] : memref<200x128xf32, #tpu.memory_space<vmem>> -> memref<200x64xf32, #tpu.memory_space<vmem>>
      %dma_start3A_545 = arith.constant 0 : i32
      %dma_start3A_546 = arith.constant 0 : i32
      %dma_start3A_547 = tpu.memref_slice %arg4[%add3A_541, %dma_start3A_545, %dma_start3A_546] : memref<4096x200x128xf32, #tpu.memory_space<hbm>> -> memref<1x200x64xf32, #tpu.memory_space<hbm>>
      %dma_start3A_548 = tpu.memref_squeeze %dma_start3A_547 : memref<1x200x64xf32, #tpu.memory_space<hbm>> -> memref<200x64xf32, #tpu.memory_space<hbm>>
      %dma_start3A_549 = arith.constant 0 : i32
      %dma_start3A_550 = arith.constant 0 : i32
      %dma_start3A_551 = tpu.memref_slice %arg4[%add3A_541, %dma_start3A_549, %dma_start3A_550] : memref<4096x200x128xf32, #tpu.memory_space<hbm>> -> memref<1x200x64xf32, #tpu.memory_space<hbm>>
      %dma_start3A_552 = tpu.memref_squeeze %dma_start3A_551 : memref<1x200x64xf32, #tpu.memory_space<hbm>> -> memref<200x64xf32, #tpu.memory_space<hbm>>
      %dma_start3A_553 = arith.constant 0 : i32
      %dma_start3A_554 = arith.constant 0 : i32
      %dma_start3A_555 = tpu.memref_slice %arg8[%dma_start3A_553, %dma_start3A_554] : memref<200x128xf32, #tpu.memory_space<vmem>> -> memref<200x64xf32, #tpu.memory_space<vmem>>
      tpu.enqueue_dma source(%dma_start3A_555 : memref<200x64xf32, #tpu.memory_space<vmem>>) target(%dma_start3A_552 : memref<200x64xf32, #tpu.memory_space<hbm>>) target_semaphore(%arg14 : memref<!tpu.dma_semaphore, #tpu.memory_space<semaphore_mem>>)
      %dma_wait3A_556 = arith.constant 0 : i32
      %dma_wait3A_557 = arith.constant 0 : i32
      %dma_wait3A_558 = tpu.memref_slice %arg7[%dma_wait3A_556, %dma_wait3A_557] : memref<200x128xf32, #tpu.memory_space<vmem>> -> memref<200x64xf32, #tpu.memory_space<vmem>>
      %dma_wait3A_559 = arith.constant 0 : i32
      %dma_wait3A_560 = arith.constant 0 : i32
      %dma_wait3A_561 = tpu.memref_slice %arg4[%mul3A_2, %dma_wait3A_559, %dma_wait3A_560] : memref<4096x200x128xf32, #tpu.memory_space<hbm>> -> memref<1x200x64xf32, #tpu.memory_space<hbm>>
      %dma_wait3A_562 = tpu.memref_squeeze %dma_wait3A_561 : memref<1x200x64xf32, #tpu.memory_space<hbm>> -> memref<200x64xf32, #tpu.memory_space<hbm>>
      %dma_wait3A_563 = arith.constant 0 : i32
      %dma_wait3A_564 = arith.constant 0 : i32
      %dma_wait3A_565 = tpu.memref_slice %arg4[%mul3A_2, %dma_wait3A_563, %dma_wait3A_564] : memref<4096x200x128xf32, #tpu.memory_space<hbm>> -> memref<1x200x64xf32, #tpu.memory_space<hbm>>
      %dma_wait3A_566 = tpu.memref_squeeze %dma_wait3A_565 : memref<1x200x64xf32, #tpu.memory_space<hbm>> -> memref<200x64xf32, #tpu.memory_space<hbm>>
      %dma_wait3A_567 = arith.constant 0 : i32
      %dma_wait3A_568 = arith.constant 0 : i32
      %dma_wait3A_569 = tpu.memref_slice %arg7[%dma_wait3A_567, %dma_wait3A_568] : memref<200x128xf32, #tpu.memory_space<vmem>> -> memref<200x64xf32, #tpu.memory_space<vmem>>
      tpu.wait_dma2 semaphore(%arg13 : memref<!tpu.dma_semaphore, #tpu.memory_space<semaphore_mem>>) src(%dma_wait3A_569 : memref<200x64xf32, #tpu.memory_space<vmem>>) dst(%dma_wait3A_566 : memref<200x64xf32, #tpu.memory_space<hbm>>)
      %add3A_570 = arith.constant 2 : i32
      %add3A_571 = arith.addi %add3A_519, %add3A_570 : i32
      %dma_start3A_572 = arith.constant 0 : i32
      %dma_start3A_573 = arith.constant 0 : i32
      %dma_start3A_574 = tpu.memref_slice %arg7[%dma_start3A_572, %dma_start3A_573] : memref<200x128xf32, #tpu.memory_space<vmem>> -> memref<128x128xf32, #tpu.memory_space<vmem>>
      %dma_start3A_575 = arith.constant 0 : i32
      %dma_start3A_576 = tpu.memref_slice %arg5[%add3A_571, %dma_start3A_575] : memref<128x200xi32, #tpu.memory_space<vmem>> -> memref<1x128xi32, #tpu.memory_space<vmem>>
      %dma_start3A_577 = tpu.memref_squeeze %dma_start3A_576 : memref<1x128xi32, #tpu.memory_space<vmem>> -> memref<128xi32, #tpu.memory_space<vmem>>
      %dma_start3A_578 = arith.constant 0 : i32
      %dma_start3A_579 = arith.constant 0 : i32
      %dma_start3A_580 = tpu.memref_slice %arg3[%dma_start3A_578, %dma_start3A_579] : memref<1000000x128xf32, #tpu.memory_space<hbm>> -> memref<1000000x128xf32, #tpu.memory_space<hbm>>
      tpu.enqueue_indirect_dma source(%dma_start3A_580 : memref<1000000x128xf32, #tpu.memory_space<hbm>>) target(%dma_start3A_574 : memref<128x128xf32, #tpu.memory_space<vmem>>) offsets(%dma_start3A_577 : memref<128xi32, #tpu.memory_space<vmem>>) semaphore(%arg10 : memref<!tpu.dma_semaphore, #tpu.memory_space<semaphore_mem>>)
      %dma_start3A_581 = arith.constant 128 : i32
      %dma_start3A_582 = arith.constant 0 : i32
      %dma_start3A_583 = tpu.memref_slice %arg7[%dma_start3A_581, %dma_start3A_582] : memref<200x128xf32, #tpu.memory_space<vmem>> -> memref<72x128xf32, #tpu.memory_space<vmem>>
      %dma_start3A_584 = arith.constant 128 : i32
      %dma_start3A_585 = tpu.memref_slice %arg5[%add3A_571, %dma_start3A_584] : memref<128x200xi32, #tpu.memory_space<vmem>> -> memref<1x72xi32, #tpu.memory_space<vmem>>
      %dma_start3A_586 = tpu.memref_squeeze %dma_start3A_585 : memref<1x72xi32, #tpu.memory_space<vmem>> -> memref<72xi32, #tpu.memory_space<vmem>>
      %dma_start3A_587 = arith.constant 0 : i32
      %dma_start3A_588 = arith.constant 0 : i32
      %dma_start3A_589 = tpu.memref_slice %arg3[%dma_start3A_587, %dma_start3A_588] : memref<1000000x128xf32, #tpu.memory_space<hbm>> -> memref<1000000x128xf32, #tpu.memory_space<hbm>>
      tpu.enqueue_indirect_dma source(%dma_start3A_589 : memref<1000000x128xf32, #tpu.memory_space<hbm>>) target(%dma_start3A_583 : memref<72x128xf32, #tpu.memory_space<vmem>>) offsets(%dma_start3A_586 : memref<72xi32, #tpu.memory_space<vmem>>) semaphore(%arg10 : memref<!tpu.dma_semaphore, #tpu.memory_space<semaphore_mem>>)
    }
    %scan3A_248 = arith.constant 41 : i32
    %dma_wait3A_249 = arith.constant 126 : i32
    %dma_wait3A_250 = arith.constant 0 : i32
    %dma_wait3A_251 = arith.constant 0 : i32
    %dma_wait3A_252 = tpu.memref_slice %arg6[%dma_wait3A_250, %dma_wait3A_251] : memref<200x128xf32, #tpu.memory_space<vmem>> -> memref<128x128xf32, #tpu.memory_space<vmem>>
    %dma_wait3A_253 = arith.constant 0 : i32
    %dma_wait3A_254 = tpu.memref_slice %arg5[%dma_wait3A_249, %dma_wait3A_253] : memref<128x200xi32, #tpu.memory_space<vmem>> -> memref<1x128xi32, #tpu.memory_space<vmem>>
    %dma_wait3A_255 = tpu.memref_squeeze %dma_wait3A_254 : memref<1x128xi32, #tpu.memory_space<vmem>> -> memref<128xi32, #tpu.memory_space<vmem>>
    %dma_wait3A_256 = arith.constant 0 : i32
    %dma_wait3A_257 = arith.constant 0 : i32
    %dma_wait3A_258 = tpu.memref_slice %arg3[%dma_wait3A_256, %dma_wait3A_257] : memref<1000000x128xf32, #tpu.memory_space<hbm>> -> memref<1000000x128xf32, #tpu.memory_space<hbm>>
    tpu.wait_indirect_dma semaphore(%arg9 : memref<!tpu.dma_semaphore, #tpu.memory_space<semaphore_mem>>) src(%dma_wait3A_258 : memref<1000000x128xf32, #tpu.memory_space<hbm>>) dst(%dma_wait3A_252 : memref<128x128xf32, #tpu.memory_space<vmem>>)
    %dma_wait3A_259 = arith.constant 126 : i32
    %dma_wait3A_260 = arith.constant 128 : i32
    %dma_wait3A_261 = arith.constant 0 : i32
    %dma_wait3A_262 = tpu.memref_slice %arg6[%dma_wait3A_260, %dma_wait3A_261] : memref<200x128xf32, #tpu.memory_space<vmem>> -> memref<72x128xf32, #tpu.memory_space<vmem>>
    %dma_wait3A_263 = arith.constant 128 : i32
    %dma_wait3A_264 = tpu.memref_slice %arg5[%dma_wait3A_259, %dma_wait3A_263] : memref<128x200xi32, #tpu.memory_space<vmem>> -> memref<1x72xi32, #tpu.memory_space<vmem>>
    %dma_wait3A_265 = tpu.memref_squeeze %dma_wait3A_264 : memref<1x72xi32, #tpu.memory_space<vmem>> -> memref<72xi32, #tpu.memory_space<vmem>>
    %dma_wait3A_266 = arith.constant 0 : i32
    %dma_wait3A_267 = arith.constant 0 : i32
    %dma_wait3A_268 = tpu.memref_slice %arg3[%dma_wait3A_266, %dma_wait3A_267] : memref<1000000x128xf32, #tpu.memory_space<hbm>> -> memref<1000000x128xf32, #tpu.memory_space<hbm>>
    tpu.wait_indirect_dma semaphore(%arg9 : memref<!tpu.dma_semaphore, #tpu.memory_space<semaphore_mem>>) src(%dma_wait3A_268 : memref<1000000x128xf32, #tpu.memory_space<hbm>>) dst(%dma_wait3A_262 : memref<72x128xf32, #tpu.memory_space<vmem>>)
    %parallel_loop3A_269 = arith.constant 0 : i32
    %parallel_loop3A_270 = arith.constant 200 : i32
    %parallel_loop3A_271 = arith.constant 1 : i32
    scf.for %parallel_loop3A_369 = %parallel_loop3A_269 to %parallel_loop3A_270 step %parallel_loop3A_271  : i32 {
      %parallel_loop3A_370 = arith.index_cast %parallel_loop3A_369 : i32 to index
      %parallel_loop3A_371 = arith.constant 0 : index
      %parallel_loop3A_372 = tpu.vector_load %arg6[%parallel_loop3A_370, %parallel_loop3A_371] {strides = array<i32>} : memref<200x128xf32, #tpu.memory_space<vmem>>, vector<1x16xf32>,
      %parallel_loop3A_373 = vector.shape_cast %parallel_loop3A_372 : vector<1x16xf32> to vector<16xf32>
      %parallel_loop3A_374 = arith.constant 8.000000e+00 : f32
      %parallel_loop3A_375 = vector.broadcast %parallel_loop3A_374 : f32 to vector<16xf32>
      %parallel_loop3A_376 = arith.mulf %parallel_loop3A_373, %parallel_loop3A_375 : vector<16xf32>
      %parallel_loop3A_377 = arith.index_cast %parallel_loop3A_369 : i32 to index
      %parallel_loop3A_378 = arith.constant 0 : index
      %parallel_loop3A_379 = tpu.vector_load %arg6[%parallel_loop3A_377, %parallel_loop3A_378] {strides = array<i32>} : memref<200x128xf32, #tpu.memory_space<vmem>>, vector<1x16xf32>,
      %parallel_loop3A_380 = vector.shape_cast %parallel_loop3A_379 : vector<1x16xf32> to vector<16xf32>
      %parallel_loop3A_381 = vector.shape_cast %parallel_loop3A_376 : vector<16xf32> to vector<1x16xf32>
      tpu.vector_store %arg6[%parallel_loop3A_377, %parallel_loop3A_378], %parallel_loop3A_381 {strides = array<i32>} : memref<200x128xf32, #tpu.memory_space<vmem>>, vector<1x16xf32>,
      %parallel_loop3A_382 = arith.index_cast %parallel_loop3A_369 : i32 to index
      %parallel_loop3A_383 = arith.constant 16 : index
      %parallel_loop3A_384 = tpu.vector_load %arg6[%parallel_loop3A_382, %parallel_loop3A_383] {strides = array<i32>} : memref<200x128xf32, #tpu.memory_space<vmem>>, vector<1x16xf32>,
      %parallel_loop3A_385 = vector.shape_cast %parallel_loop3A_384 : vector<1x16xf32> to vector<16xf32>
      %parallel_loop3A_386 = arith.constant 8.000000e+00 : f32
      %parallel_loop3A_387 = vector.broadcast %parallel_loop3A_386 : f32 to vector<16xf32>
      %parallel_loop3A_388 = arith.mulf %parallel_loop3A_385, %parallel_loop3A_387 : vector<16xf32>
      %parallel_loop3A_389 = arith.index_cast %parallel_loop3A_369 : i32 to index
      %parallel_loop3A_390 = arith.constant 16 : index
      %parallel_loop3A_391 = tpu.vector_load %arg6[%parallel_loop3A_389, %parallel_loop3A_390] {strides = array<i32>} : memref<200x128xf32, #tpu.memory_space<vmem>>, vector<1x16xf32>,
      %parallel_loop3A_392 = vector.shape_cast %parallel_loop3A_391 : vector<1x16xf32> to vector<16xf32>
      %parallel_loop3A_393 = vector.shape_cast %parallel_loop3A_388 : vector<16xf32> to vector<1x16xf32>
      tpu.vector_store %arg6[%parallel_loop3A_389, %parallel_loop3A_390], %parallel_loop3A_393 {strides = array<i32>} : memref<200x128xf32, #tpu.memory_space<vmem>>, vector<1x16xf32>,
      %parallel_loop3A_394 = arith.index_cast %parallel_loop3A_369 : i32 to index
      %parallel_loop3A_395 = arith.constant 32 : index
      %parallel_loop3A_396 = tpu.vector_load %arg6[%parallel_loop3A_394, %parallel_loop3A_395] {strides = array<i32>} : memref<200x128xf32, #tpu.memory_space<vmem>>, vector<1x16xf32>,
      %parallel_loop3A_397 = vector.shape_cast %parallel_loop3A_396 : vector<1x16xf32> to vector<16xf32>
      %parallel_loop3A_398 = arith.constant 8.000000e+00 : f32
      %parallel_loop3A_399 = vector.broadcast %parallel_loop3A_398 : f32 to vector<16xf32>
      %parallel_loop3A_400 = arith.mulf %parallel_loop3A_397, %parallel_loop3A_399 : vector<16xf32>
      %parallel_loop3A_401 = arith.index_cast %parallel_loop3A_369 : i32 to index
      %parallel_loop3A_402 = arith.constant 32 : index
      %parallel_loop3A_403 = tpu.vector_load %arg6[%parallel_loop3A_401, %parallel_loop3A_402] {strides = array<i32>} : memref<200x128xf32, #tpu.memory_space<vmem>>, vector<1x16xf32>,
      %parallel_loop3A_404 = vector.shape_cast %parallel_loop3A_403 : vector<1x16xf32> to vector<16xf32>
      %parallel_loop3A_405 = vector.shape_cast %parallel_loop3A_400 : vector<16xf32> to vector<1x16xf32>
      tpu.vector_store %arg6[%parallel_loop3A_401, %parallel_loop3A_402], %parallel_loop3A_405 {strides = array<i32>} : memref<200x128xf32, #tpu.memory_space<vmem>>, vector<1x16xf32>,
      %parallel_loop3A_406 = arith.index_cast %parallel_loop3A_369 : i32 to index
      %parallel_loop3A_407 = arith.constant 48 : index
      %parallel_loop3A_408 = tpu.vector_load %arg6[%parallel_loop3A_406, %parallel_loop3A_407] {strides = array<i32>} : memref<200x128xf32, #tpu.memory_space<vmem>>, vector<1x16xf32>,
      %parallel_loop3A_409 = vector.shape_cast %parallel_loop3A_408 : vector<1x16xf32> to vector<16xf32>
      %parallel_loop3A_410 = arith.constant 8.000000e+00 : f32
      %parallel_loop3A_411 = vector.broadcast %parallel_loop3A_410 : f32 to vector<16xf32>
      %parallel_loop3A_412 = arith.mulf %parallel_loop3A_409, %parallel_loop3A_411 : vector<16xf32>
      %parallel_loop3A_413 = arith.index_cast %parallel_loop3A_369 : i32 to index
      %parallel_loop3A_414 = arith.constant 48 : index
      %parallel_loop3A_415 = tpu.vector_load %arg6[%parallel_loop3A_413, %parallel_loop3A_414] {strides = array<i32>} : memref<200x128xf32, #tpu.memory_space<vmem>>, vector<1x16xf32>,
      %parallel_loop3A_416 = vector.shape_cast %parallel_loop3A_415 : vector<1x16xf32> to vector<16xf32>
      %parallel_loop3A_417 = vector.shape_cast %parallel_loop3A_412 : vector<16xf32> to vector<1x16xf32>
      tpu.vector_store %arg6[%parallel_loop3A_413, %parallel_loop3A_414], %parallel_loop3A_417 {strides = array<i32>} : memref<200x128xf32, #tpu.memory_space<vmem>>, vector<1x16xf32>,
    } {sc.loop_unroll_factor = 4 : i64, sc.parallel_access}
    %add3A_272 = arith.constant 126 : i32
    %add3A_273 = arith.addi %mul3A_2, %add3A_272 : i32
    %dma_start3A_274 = arith.constant 0 : i32
    %dma_start3A_275 = arith.constant 0 : i32
    %dma_start3A_276 = tpu.memref_slice %arg6[%dma_start3A_274, %dma_start3A_275] : memref<200x128xf32, #tpu.memory_space<vmem>> -> memref<200x64xf32, #tpu.memory_space<vmem>>
    %dma_start3A_277 = arith.constant 0 : i32
    %dma_start3A_278 = arith.constant 0 : i32
    %dma_start3A_279 = tpu.memref_slice %arg4[%add3A_273, %dma_start3A_277, %dma_start3A_278] : memref<4096x200x128xf32, #tpu.memory_space<hbm>> -> memref<1x200x64xf32, #tpu.memory_space<hbm>>
    %dma_start3A_280 = tpu.memref_squeeze %dma_start3A_279 : memref<1x200x64xf32, #tpu.memory_space<hbm>> -> memref<200x64xf32, #tpu.memory_space<hbm>>
    %dma_start3A_281 = arith.constant 0 : i32
    %dma_start3A_282 = arith.constant 0 : i32
    %dma_start3A_283 = tpu.memref_slice %arg4[%add3A_273, %dma_start3A_281, %dma_start3A_282] : memref<4096x200x128xf32, #tpu.memory_space<hbm>> -> memref<1x200x64xf32, #tpu.memory_space<hbm>>
    %dma_start3A_284 = tpu.memref_squeeze %dma_start3A_283 : memref<1x200x64xf32, #tpu.memory_space<hbm>> -> memref<200x64xf32, #tpu.memory_space<hbm>>
    %dma_start3A_285 = arith.constant 0 : i32
    %dma_start3A_286 = arith.constant 0 : i32
    %dma_start3A_287 = tpu.memref_slice %arg6[%dma_start3A_285, %dma_start3A_286] : memref<200x128xf32, #tpu.memory_space<vmem>> -> memref<200x64xf32, #tpu.memory_space<vmem>>
    tpu.enqueue_dma source(%dma_start3A_287 : memref<200x64xf32, #tpu.memory_space<vmem>>) target(%dma_start3A_284 : memref<200x64xf32, #tpu.memory_space<hbm>>) target_semaphore(%arg12 : memref<!tpu.dma_semaphore, #tpu.memory_space<semaphore_mem>>)
    %dma_wait3A_288 = arith.constant 127 : i32
    %dma_wait3A_289 = arith.constant 0 : i32
    %dma_wait3A_290 = arith.constant 0 : i32
    %dma_wait3A_291 = tpu.memref_slice %arg7[%dma_wait3A_289, %dma_wait3A_290] : memref<200x128xf32, #tpu.memory_space<vmem>> -> memref<128x128xf32, #tpu.memory_space<vmem>>
    %dma_wait3A_292 = arith.constant 0 : i32
    %dma_wait3A_293 = tpu.memref_slice %arg5[%dma_wait3A_288, %dma_wait3A_292] : memref<128x200xi32, #tpu.memory_space<vmem>> -> memref<1x128xi32, #tpu.memory_space<vmem>>
    %dma_wait3A_294 = tpu.memref_squeeze %dma_wait3A_293 : memref<1x128xi32, #tpu.memory_space<vmem>> -> memref<128xi32, #tpu.memory_space<vmem>>
    %dma_wait3A_295 = arith.constant 0 : i32
    %dma_wait3A_296 = arith.constant 0 : i32
    %dma_wait3A_297 = tpu.memref_slice %arg3[%dma_wait3A_295, %dma_wait3A_296] : memref<1000000x128xf32, #tpu.memory_space<hbm>> -> memref<1000000x128xf32, #tpu.memory_space<hbm>>
    tpu.wait_indirect_dma semaphore(%arg10 : memref<!tpu.dma_semaphore, #tpu.memory_space<semaphore_mem>>) src(%dma_wait3A_297 : memref<1000000x128xf32, #tpu.memory_space<hbm>>) dst(%dma_wait3A_291 : memref<128x128xf32, #tpu.memory_space<vmem>>)
    %dma_wait3A_298 = arith.constant 127 : i32
    %dma_wait3A_299 = arith.constant 128 : i32
    %dma_wait3A_300 = arith.constant 0 : i32
    %dma_wait3A_301 = tpu.memref_slice %arg7[%dma_wait3A_299, %dma_wait3A_300] : memref<200x128xf32, #tpu.memory_space<vmem>> -> memref<72x128xf32, #tpu.memory_space<vmem>>
    %dma_wait3A_302 = arith.constant 128 : i32
    %dma_wait3A_303 = tpu.memref_slice %arg5[%dma_wait3A_298, %dma_wait3A_302] : memref<128x200xi32, #tpu.memory_space<vmem>> -> memref<1x72xi32, #tpu.memory_space<vmem>>
    %dma_wait3A_304 = tpu.memref_squeeze %dma_wait3A_303 : memref<1x72xi32, #tpu.memory_space<vmem>> -> memref<72xi32, #tpu.memory_space<vmem>>
    %dma_wait3A_305 = arith.constant 0 : i32
    %dma_wait3A_306 = arith.constant 0 : i32
    %dma_wait3A_307 = tpu.memref_slice %arg3[%dma_wait3A_305, %dma_wait3A_306] : memref<1000000x128xf32, #tpu.memory_space<hbm>> -> memref<1000000x128xf32, #tpu.memory_space<hbm>>
    tpu.wait_indirect_dma semaphore(%arg10 : memref<!tpu.dma_semaphore, #tpu.memory_space<semaphore_mem>>) src(%dma_wait3A_307 : memref<1000000x128xf32, #tpu.memory_space<hbm>>) dst(%dma_wait3A_301 : memref<72x128xf32, #tpu.memory_space<vmem>>)
    %parallel_loop3A_308 = arith.constant 0 : i32
    %parallel_loop3A_309 = arith.constant 200 : i32
    %parallel_loop3A_310 = arith.constant 1 : i32
    scf.for %parallel_loop3A_369 = %parallel_loop3A_308 to %parallel_loop3A_309 step %parallel_loop3A_310  : i32 {
      %parallel_loop3A_370 = arith.index_cast %parallel_loop3A_369 : i32 to index
      %parallel_loop3A_371 = arith.constant 0 : index
      %parallel_loop3A_372 = tpu.vector_load %arg7[%parallel_loop3A_370, %parallel_loop3A_371] {strides = array<i32>} : memref<200x128xf32, #tpu.memory_space<vmem>>, vector<1x16xf32>,
      %parallel_loop3A_373 = vector.shape_cast %parallel_loop3A_372 : vector<1x16xf32> to vector<16xf32>
      %parallel_loop3A_374 = arith.constant 8.000000e+00 : f32
      %parallel_loop3A_375 = vector.broadcast %parallel_loop3A_374 : f32 to vector<16xf32>
      %parallel_loop3A_376 = arith.mulf %parallel_loop3A_373, %parallel_loop3A_375 : vector<16xf32>
      %parallel_loop3A_377 = arith.index_cast %parallel_loop3A_369 : i32 to index
      %parallel_loop3A_378 = arith.constant 0 : index
      %parallel_loop3A_379 = tpu.vector_load %arg7[%parallel_loop3A_377, %parallel_loop3A_378] {strides = array<i32>} : memref<200x128xf32, #tpu.memory_space<vmem>>, vector<1x16xf32>,
      %parallel_loop3A_380 = vector.shape_cast %parallel_loop3A_379 : vector<1x16xf32> to vector<16xf32>
      %parallel_loop3A_381 = vector.shape_cast %parallel_loop3A_376 : vector<16xf32> to vector<1x16xf32>
      tpu.vector_store %arg7[%parallel_loop3A_377, %parallel_loop3A_378], %parallel_loop3A_381 {strides = array<i32>} : memref<200x128xf32, #tpu.memory_space<vmem>>, vector<1x16xf32>,
      %parallel_loop3A_382 = arith.index_cast %parallel_loop3A_369 : i32 to index
      %parallel_loop3A_383 = arith.constant 16 : index
      %parallel_loop3A_384 = tpu.vector_load %arg7[%parallel_loop3A_382, %parallel_loop3A_383] {strides = array<i32>} : memref<200x128xf32, #tpu.memory_space<vmem>>, vector<1x16xf32>,
      %parallel_loop3A_385 = vector.shape_cast %parallel_loop3A_384 : vector<1x16xf32> to vector<16xf32>
      %parallel_loop3A_386 = arith.constant 8.000000e+00 : f32
      %parallel_loop3A_387 = vector.broadcast %parallel_loop3A_386 : f32 to vector<16xf32>
      %parallel_loop3A_388 = arith.mulf %parallel_loop3A_385, %parallel_loop3A_387 : vector<16xf32>
      %parallel_loop3A_389 = arith.index_cast %parallel_loop3A_369 : i32 to index
      %parallel_loop3A_390 = arith.constant 16 : index
      %parallel_loop3A_391 = tpu.vector_load %arg7[%parallel_loop3A_389, %parallel_loop3A_390] {strides = array<i32>} : memref<200x128xf32, #tpu.memory_space<vmem>>, vector<1x16xf32>,
      %parallel_loop3A_392 = vector.shape_cast %parallel_loop3A_391 : vector<1x16xf32> to vector<16xf32>
      %parallel_loop3A_393 = vector.shape_cast %parallel_loop3A_388 : vector<16xf32> to vector<1x16xf32>
      tpu.vector_store %arg7[%parallel_loop3A_389, %parallel_loop3A_390], %parallel_loop3A_393 {strides = array<i32>} : memref<200x128xf32, #tpu.memory_space<vmem>>, vector<1x16xf32>,
      %parallel_loop3A_394 = arith.index_cast %parallel_loop3A_369 : i32 to index
      %parallel_loop3A_395 = arith.constant 32 : index
      %parallel_loop3A_396 = tpu.vector_load %arg7[%parallel_loop3A_394, %parallel_loop3A_395] {strides = array<i32>} : memref<200x128xf32, #tpu.memory_space<vmem>>, vector<1x16xf32>,
      %parallel_loop3A_397 = vector.shape_cast %parallel_loop3A_396 : vector<1x16xf32> to vector<16xf32>
      %parallel_loop3A_398 = arith.constant 8.000000e+00 : f32
      %parallel_loop3A_399 = vector.broadcast %parallel_loop3A_398 : f32 to vector<16xf32>
      %parallel_loop3A_400 = arith.mulf %parallel_loop3A_397, %parallel_loop3A_399 : vector<16xf32>
      %parallel_loop3A_401 = arith.index_cast %parallel_loop3A_369 : i32 to index
      %parallel_loop3A_402 = arith.constant 32 : index
      %parallel_loop3A_403 = tpu.vector_load %arg7[%parallel_loop3A_401, %parallel_loop3A_402] {strides = array<i32>} : memref<200x128xf32, #tpu.memory_space<vmem>>, vector<1x16xf32>,
      %parallel_loop3A_404 = vector.shape_cast %parallel_loop3A_403 : vector<1x16xf32> to vector<16xf32>
      %parallel_loop3A_405 = vector.shape_cast %parallel_loop3A_400 : vector<16xf32> to vector<1x16xf32>
      tpu.vector_store %arg7[%parallel_loop3A_401, %parallel_loop3A_402], %parallel_loop3A_405 {strides = array<i32>} : memref<200x128xf32, #tpu.memory_space<vmem>>, vector<1x16xf32>,
      %parallel_loop3A_406 = arith.index_cast %parallel_loop3A_369 : i32 to index
      %parallel_loop3A_407 = arith.constant 48 : index
      %parallel_loop3A_408 = tpu.vector_load %arg7[%parallel_loop3A_406, %parallel_loop3A_407] {strides = array<i32>} : memref<200x128xf32, #tpu.memory_space<vmem>>, vector<1x16xf32>,
      %parallel_loop3A_409 = vector.shape_cast %parallel_loop3A_408 : vector<1x16xf32> to vector<16xf32>
      %parallel_loop3A_410 = arith.constant 8.000000e+00 : f32
      %parallel_loop3A_411 = vector.broadcast %parallel_loop3A_410 : f32 to vector<16xf32>
      %parallel_loop3A_412 = arith.mulf %parallel_loop3A_409, %parallel_loop3A_411 : vector<16xf32>
      %parallel_loop3A_413 = arith.index_cast %parallel_loop3A_369 : i32 to index
      %parallel_loop3A_414 = arith.constant 48 : index
      %parallel_loop3A_415 = tpu.vector_load %arg7[%parallel_loop3A_413, %parallel_loop3A_414] {strides = array<i32>} : memref<200x128xf32, #tpu.memory_space<vmem>>, vector<1x16xf32>,
      %parallel_loop3A_416 = vector.shape_cast %parallel_loop3A_415 : vector<1x16xf32> to vector<16xf32>
      %parallel_loop3A_417 = vector.shape_cast %parallel_loop3A_412 : vector<16xf32> to vector<1x16xf32>
      tpu.vector_store %arg7[%parallel_loop3A_413, %parallel_loop3A_414], %parallel_loop3A_417 {strides = array<i32>} : memref<200x128xf32, #tpu.memory_space<vmem>>, vector<1x16xf32>,
    } {sc.loop_unroll_factor = 4 : i64, sc.parallel_access}
    %add3A_311 = arith.constant 127 : i32
    %add3A_312 = arith.addi %mul3A_2, %add3A_311 : i32
    %dma_start3A_313 = arith.constant 0 : i32
    %dma_start3A_314 = arith.constant 0 : i32
    %dma_start3A_315 = tpu.memref_slice %arg7[%dma_start3A_313, %dma_start3A_314] : memref<200x128xf32, #tpu.memory_space<vmem>> -> memref<200x64xf32, #tpu.memory_space<vmem>>
    %dma_start3A_316 = arith.constant 0 : i32
    %dma_start3A_317 = arith.constant 0 : i32
    %dma_start3A_318 = tpu.memref_slice %arg4[%add3A_312, %dma_start3A_316, %dma_start3A_317] : memref<4096x200x128xf32, #tpu.memory_space<hbm>> -> memref<1x200x64xf32, #tpu.memory_space<hbm>>
    %dma_start3A_319 = tpu.memref_squeeze %dma_start3A_318 : memref<1x200x64xf32, #tpu.memory_space<hbm>> -> memref<200x64xf32, #tpu.memory_space<hbm>>
    %dma_start3A_320 = arith.constant 0 : i32
    %dma_start3A_321 = arith.constant 0 : i32
    %dma_start3A_322 = tpu.memref_slice %arg4[%add3A_312, %dma_start3A_320, %dma_start3A_321] : memref<4096x200x128xf32, #tpu.memory_space<hbm>> -> memref<1x200x64xf32, #tpu.memory_space<hbm>>
    %dma_start3A_323 = tpu.memref_squeeze %dma_start3A_322 : memref<1x200x64xf32, #tpu.memory_space<hbm>> -> memref<200x64xf32, #tpu.memory_space<hbm>>
    %dma_start3A_324 = arith.constant 0 : i32
    %dma_start3A_325 = arith.constant 0 : i32
    %dma_start3A_326 = tpu.memref_slice %arg7[%dma_start3A_324, %dma_start3A_325] : memref<200x128xf32, #tpu.memory_space<vmem>> -> memref<200x64xf32, #tpu.memory_space<vmem>>
    tpu.enqueue_dma source(%dma_start3A_326 : memref<200x64xf32, #tpu.memory_space<vmem>>) target(%dma_start3A_323 : memref<200x64xf32, #tpu.memory_space<hbm>>) target_semaphore(%arg13 : memref<!tpu.dma_semaphore, #tpu.memory_space<semaphore_mem>>)
    %dma_wait3A_327 = arith.constant 0 : i32
    %dma_wait3A_328 = arith.constant 0 : i32
    %dma_wait3A_329 = tpu.memref_slice %arg8[%dma_wait3A_327, %dma_wait3A_328] : memref<200x128xf32, #tpu.memory_space<vmem>> -> memref<200x64xf32, #tpu.memory_space<vmem>>
    %dma_wait3A_330 = arith.constant 0 : i32
    %dma_wait3A_331 = arith.constant 0 : i32
    %dma_wait3A_332 = tpu.memref_slice %arg4[%mul3A_2, %dma_wait3A_330, %dma_wait3A_331] : memref<4096x200x128xf32, #tpu.memory_space<hbm>> -> memref<1x200x64xf32, #tpu.memory_space<hbm>>
    %dma_wait3A_333 = tpu.memref_squeeze %dma_wait3A_332 : memref<1x200x64xf32, #tpu.memory_space<hbm>> -> memref<200x64xf32, #tpu.memory_space<hbm>>
    %dma_wait3A_334 = arith.constant 0 : i32
    %dma_wait3A_335 = arith.constant 0 : i32
    %dma_wait3A_336 = tpu.memref_slice %arg4[%mul3A_2, %dma_wait3A_334, %dma_wait3A_335] : memref<4096x200x128xf32, #tpu.memory_space<hbm>> -> memref<1x200x64xf32, #tpu.memory_space<hbm>>
    %dma_wait3A_337 = tpu.memref_squeeze %dma_wait3A_336 : memref<1x200x64xf32, #tpu.memory_space<hbm>> -> memref<200x64xf32, #tpu.memory_space<hbm>>
    %dma_wait3A_338 = arith.constant 0 : i32
    %dma_wait3A_339 = arith.constant 0 : i32
    %dma_wait3A_340 = tpu.memref_slice %arg8[%dma_wait3A_338, %dma_wait3A_339] : memref<200x128xf32, #tpu.memory_space<vmem>> -> memref<200x64xf32, #tpu.memory_space<vmem>>
    tpu.wait_dma2 semaphore(%arg14 : memref<!tpu.dma_semaphore, #tpu.memory_space<semaphore_mem>>) src(%dma_wait3A_340 : memref<200x64xf32, #tpu.memory_space<vmem>>) dst(%dma_wait3A_337 : memref<200x64xf32, #tpu.memory_space<hbm>>)
    %dma_wait3A_341 = arith.constant 0 : i32
    %dma_wait3A_342 = arith.constant 0 : i32
    %dma_wait3A_343 = tpu.memref_slice %arg6[%dma_wait3A_341, %dma_wait3A_342] : memref<200x128xf32, #tpu.memory_space<vmem>> -> memref<200x64xf32, #tpu.memory_space<vmem>>
    %dma_wait3A_344 = arith.constant 0 : i32
    %dma_wait3A_345 = arith.constant 0 : i32
    %dma_wait3A_346 = tpu.memref_slice %arg4[%mul3A_2, %dma_wait3A_344, %dma_wait3A_345] : memref<4096x200x128xf32, #tpu.memory_space<hbm>> -> memref<1x200x64xf32, #tpu.memory_space<hbm>>
    %dma_wait3A_347 = tpu.memref_squeeze %dma_wait3A_346 : memref<1x200x64xf32, #tpu.memory_space<hbm>> -> memref<200x64xf32, #tpu.memory_space<hbm>>
    %dma_wait3A_348 = arith.constant 0 : i32
    %dma_wait3A_349 = arith.constant 0 : i32
    %dma_wait3A_350 = tpu.memref_slice %arg4[%mul3A_2, %dma_wait3A_348, %dma_wait3A_349] : memref<4096x200x128xf32, #tpu.memory_space<hbm>> -> memref<1x200x64xf32, #tpu.memory_space<hbm>>
    %dma_wait3A_351 = tpu.memref_squeeze %dma_wait3A_350 : memref<1x200x64xf32, #tpu.memory_space<hbm>> -> memref<200x64xf32, #tpu.memory_space<hbm>>
    %dma_wait3A_352 = arith.constant 0 : i32
    %dma_wait3A_353 = arith.constant 0 : i32
    %dma_wait3A_354 = tpu.memref_slice %arg6[%dma_wait3A_352, %dma_wait3A_353] : memref<200x128xf32, #tpu.memory_space<vmem>> -> memref<200x64xf32, #tpu.memory_space<vmem>>
    tpu.wait_dma2 semaphore(%arg12 : memref<!tpu.dma_semaphore, #tpu.memory_space<semaphore_mem>>) src(%dma_wait3A_354 : memref<200x64xf32, #tpu.memory_space<vmem>>) dst(%dma_wait3A_351 : memref<200x64xf32, #tpu.memory_space<hbm>>)
    %dma_wait3A_355 = arith.constant 0 : i32
    %dma_wait3A_356 = arith.constant 0 : i32
    %dma_wait3A_357 = tpu.memref_slice %arg7[%dma_wait3A_355, %dma_wait3A_356] : memref<200x128xf32, #tpu.memory_space<vmem>> -> memref<200x64xf32, #tpu.memory_space<vmem>>
    %dma_wait3A_358 = arith.constant 0 : i32
    %dma_wait3A_359 = arith.constant 0 : i32
    %dma_wait3A_360 = tpu.memref_slice %arg4[%mul3A_2, %dma_wait3A_358, %dma_wait3A_359] : memref<4096x200x128xf32, #tpu.memory_space<hbm>> -> memref<1x200x64xf32, #tpu.memory_space<hbm>>
    %dma_wait3A_361 = tpu.memref_squeeze %dma_wait3A_360 : memref<1x200x64xf32, #tpu.memory_space<hbm>> -> memref<200x64xf32, #tpu.memory_space<hbm>>
    %dma_wait3A_362 = arith.constant 0 : i32
    %dma_wait3A_363 = arith.constant 0 : i32
    %dma_wait3A_364 = tpu.memref_slice %arg4[%mul3A_2, %dma_wait3A_362, %dma_wait3A_363] : memref<4096x200x128xf32, #tpu.memory_space<hbm>> -> memref<1x200x64xf32, #tpu.memory_space<hbm>>
    %dma_wait3A_365 = tpu.memref_squeeze %dma_wait3A_364 : memref<1x200x64xf32, #tpu.memory_space<hbm>> -> memref<200x64xf32, #tpu.memory_space<hbm>>
    %dma_wait3A_366 = arith.constant 0 : i32
    %dma_wait3A_367 = arith.constant 0 : i32
    %dma_wait3A_368 = tpu.memref_slice %arg7[%dma_wait3A_366, %dma_wait3A_367] : memref<200x128xf32, #tpu.memory_space<vmem>> -> memref<200x64xf32, #tpu.memory_space<vmem>>
    tpu.wait_dma2 semaphore(%arg13 : memref<!tpu.dma_semaphore, #tpu.memory_space<semaphore_mem>>) src(%dma_wait3A_368 : memref<200x64xf32, #tpu.memory_space<vmem>>) dst(%dma_wait3A_365 : memref<200x64xf32, #tpu.memory_space<hbm>>)
    return
  }
}

</mosaic_0001>

<sc_bundles>
// kernel: kernel.3.cloned.1.call-start
scs
__scs_entry_jumppad:
0x0: {  	(pc) =	sbr.rel $0x88, $3  }
0x1: {  	(tag) =	ssettag $0x0;
	lr =	simm.s32 $0x1  }
0x2: {  	[smem:$0x3F9F] =	sst lr;
	_ =	strace $0xD0000000  }
0x3: {  	_ = 	snop  }
0x4: {  	_ = 	snop  }
0x5: {  	_ = 	snop  }
0x6: {  	_ = 	snop  }
0x7: {  	_ = 	snop  }
__scs_overlays_trampoline_lowered:
0x8: {  	[smem:$0x3FAE] =	sst s0  }
0x9: {  	[smem:$0x3FAF] =	sst s1  }
0xa: {  	[smem:$0x3FB0] =	sst s2  }
0xb: {  	[smem:$0x3FB1] =	sst s3  }
0xc: {  	[smem:$0x3FB2] =	sst s4  }
0xd: {  	[smem:$0x3FB3] =	sst s5  }
0xe: {  	[smem:$0x3FB4] =	sst s6  }
0xf: {  	[smem:$0x3FB5] =	sst s7  }
0x10: {  	[smem:$0x3FB6] =	sst s8  }
0x11: {  	[smem:$0x3FB7] =	sst s9;
	s0 =	simm.s32 @!p0 $0x0  }
0x12: {  	s1 =	sld [smem:$0x3F9D];
	s0 =	simm.s32 @p0 $0x1  }
0x13: {  	[smem:$0x3FB8] =	sst s0;
	s0 =	simm.s32 @!p1 $0x0  }
0x14: {  	s2 =	sld [smem:$0x3F9C];
	s0 =	simm.s32 @p1 $0x1  }
0x15: {  	[smem:$0x3FB9] =	sst s0;
	s0 =	simm.s32 @!p2 $0x0  }
0x16: {  	s3 =	sld [smem:$0x3FDB];
	s0 =	simm.s32 @p2 $0x1  }
0x17: {  	s4 =	simm.s32 $0x1BF5;
	[smem:$0x3FBB] =	sst s0  }
0x18: {  	s0 =	sld [smem:$0x3F9E];
	_ =	swait.ge [sflag:s4], $0x0  }
0x19: {  	s7 =	sld [smem:$0x3F9F]  }
0x1a: {  	s8 =	sadd.s32 $0xFFFFE003, lr  }
0x1b: {  	s9 =	sadd.s32 $0xFFFFFEF7, lr;
	s5 =	simm.s32 $0xFFFFFFFF;
	p2 =	slt.u32 s8, $0xFFFFF086  }
0x1c: {  	p1 =	slt.u32 s9, $0xF7A;
	s5 =	simm.s32 @!p2 $0x0  }
0x1d: {  	s5 =	simm.s32 @p1 $0x1;
	p0 =	seq.s32 s7, s2  }
0x1e: {  	s7 =	smul.u32 @!p0 $0xF7A, s2;
	p2 =	seq.s32 @!p0 s5, $0x0  }
0x1f: {  	s9 =	smul.u32 $0xF7A, s1;
	s8 =	simm.s32 @!p0 $0x1BF5;
	p2 =	por !p2, p0  }
0x20: {  	[sflag:s8] =	ssyncset.s32 @!p0 $0xFFFFF086;
	s6 =	sadd.s32 @!p0 s3, s7;
	s7 =	simm.s32 @!p0 $0x108  }
0x21: {  	s3 =	sadd.s32 s3, s9;
	s6 =	sadd.s32 @!p0 $0x88, s6;
	s7 =	simm.s32 @p2 $0x1082  }
0x22: {  	[simem:s7], [sflag:s8] =	dma.local @!p0 [hbm:s6], $0xF7A  }
0x23: {  	s9 =	sor.u32 $0xD0000000, s2;
	s6 =	simm.s32 $0x108;
	_ =	swait.ge @!p0 [sflag:s8], $0x0  }
0x24: {  	s3 =	sadd.s32 $0x88, s3;
	s6 =	simm.s32 @!p1 $0x1082;
	[sflag:s4] =	ssyncset.s32 $0xFFFFF086  }
0x25: {  	[simem:s6], [sflag:s4] =	dma.local [hbm:s3], $0xF7A  }
0x26: {  	[smem:$0x3F9F] =	sst s1;
	(tag) =	ssettag s2;
	_ =	strace s9  }
0x27: {  	s1 =	sld [smem:$0x3FAF]  }
0x28: {  	s2 =	sld [smem:$0x3FB0]  }
0x29: {  	s4 =	sld [smem:$0x3FB2]  }
0x2a: {  	p0 =	seq.s32 s5, $0x0;
	s5 =	sld [smem:$0x3FB3]  }
0x2b: {  	s6 =	sld [smem:$0x3FB4]  }
0x2c: {  	s7 =	sld [smem:$0x3FB5]  }
0x2d: {  	s3 =	simm.s32 $0x108;
	s8 =	sld [smem:$0x3FB6]  }
0x2e: {  	s3 =	simm.s32 @!p0 $0x1082;
	s9 =	sld [smem:$0x3FB7]  }
0x2f: {  	lr =	sadd.s32 s0, s3;
	s0 =	sld [smem:$0x3FAE]  }
0x30: {  	s3 =	sld [smem:$0x3FB1]  }
0x31: {  	[smem:$0x3FBA] =	sst s10  }
0x32: {  	s10 =	sld [smem:$0x3FB8];
	_ =	sdelay $0x3  }
0x33: {  	p0 =	seq.s32 s10, $0x1;
	s10 =	sld [smem:$0x3FBA];
	_ =	sdelay $0x3  }
0x34: {  	[smem:$0x3FBA] =	sst s10  }
0x35: {  	s10 =	sld [smem:$0x3FB9];
	_ =	sdelay $0x3  }
0x36: {  	p1 =	seq.s32 s10, $0x1;
	s10 =	sld [smem:$0x3FBA];
	_ =	sdelay $0x3  }
0x37: {  	[smem:$0x3FBA] =	sst s10  }
0x38: {  	s10 =	sld [smem:$0x3FBB]  }
0x39: {  	_ = 	snop;
	(pc) =	sbr.ind lr, $3  }
0x3a: {  	_ = 	snop  }
0x3b: {  	_ = 	snop  }
0x3c: {  	p2 =	seq.s32 s10, $0x1;
	s10 =	sld [smem:$0x3FBA]  }
0x3d: {  	_ =	shalt  }
0x3e: {  	_ =	shalt  }
0x3f: {  	_ =	shalt  }
0x40: {  	_ =	shalt  }
0x41: {  	_ =	shalt  }
0x42: {  	_ =	shalt  }
0x43: {  	_ =	shalt  }
0x44: {  	_ =	shalt  }
0x45: {  	_ =	shalt  }
0x46: {  	_ =	shalt  }
0x47: {  	_ =	shalt  }
0x48: {  	_ =	shalt  }
0x49: {  	_ =	shalt  }
0x4a: {  	_ =	shalt  }
0x4b: {  	_ =	shalt  }
0x4c: {  	_ =	shalt  }
0x4d: {  	_ =	shalt  }
0x4e: {  	_ =	shalt  }
0x4f: {  	_ =	shalt  }
0x50: {  	_ =	shalt  }
0x51: {  	_ =	shalt  }
0x52: {  	_ =	shalt  }
0x53: {  	_ =	shalt  }
0x54: {  	_ =	shalt  }
0x55: {  	_ =	shalt  }
0x56: {  	_ =	shalt  }
0x57: {  	_ =	shalt  }
0x58: {  	_ =	shalt  }
0x59: {  	_ =	shalt  }
0x5a: {  	_ =	shalt  }
0x5b: {  	_ =	shalt  }
0x5c: {  	_ =	shalt  }
0x5d: {  	_ =	shalt  }
0x5e: {  	_ =	shalt  }
0x5f: {  	_ =	shalt  }
0x60: {  	_ =	shalt  }
0x61: {  	_ =	shalt  }
0x62: {  	_ =	shalt  }
0x63: {  	_ =	shalt  }
0x64: {  	_ =	shalt  }
0x65: {  	_ =	shalt  }
0x66: {  	_ =	shalt  }
0x67: {  	_ =	shalt  }
0x68: {  	_ =	shalt  }
0x69: {  	_ =	shalt  }
0x6a: {  	_ =	shalt  }
0x6b: {  	_ =	shalt  }
0x6c: {  	_ =	shalt  }
0x6d: {  	_ =	shalt  }
0x6e: {  	_ =	shalt  }
0x6f: {  	_ =	shalt  }
0x70: {  	_ =	shalt  }
0x71: {  	_ =	shalt  }
0x72: {  	_ =	shalt  }
0x73: {  	_ =	shalt  }
0x74: {  	_ =	shalt  }
0x75: {  	_ =	shalt  }
0x76: {  	_ =	shalt  }
0x77: {  	_ =	shalt  }
0x78: {  	_ =	shalt  }
0x79: {  	_ =	shalt  }
0x7a: {  	_ =	shalt  }
0x7b: {  	_ =	shalt  }
0x7c: {  	_ =	shalt  }
0x7d: {  	_ =	shalt  }
0x7e: {  	_ =	shalt  }
0x7f: {  	_ =	shalt  }
0x80: {  	_ =	shalt  }
0x81: {  	_ =	shalt  }
0x82: {  	_ =	shalt  }
0x83: {  	_ =	shalt  }
0x84: {  	_ =	shalt  }
0x85: {  	_ =	shalt  }
0x86: {  	_ =	shalt  }
0x87: {  	_ =	shalt  }
.Lfunc_end0:
.L_simem_size_0:
called_computation.1_lowered:
.L_overlay_start_0:
0x88: {  	s2 =	sld [smem:$0x3FD9]  }
0x89: {  	s3 =	sld [smem:$0x3FFE];
	_ =	sdelay $0x1  }
0x8a: {  	s1 =	srdreg.scid  }
0x8b: {  	s0 =	sand.u32 $0x1, s1  }
0x8c: {  	s17 =	sshll.u32 s0, $0xA;
	s2 =	sadd.s32 s3, s2  }
0x8d: {  	s2 =	sadd.s32 s2, s17  }
0x8e: {  	[smem:$0x3FC6] =	sst s2  }
0x8f: {  	_ = 	snop  }
0x90: {  	s2 =	sld [smem:$0x3FD0];
	(tm) =	ssettm $0x1  }
0x91: {  	s18 =	sld [smem:$0x3FFB];
	_ =	sdelay $0x3  }
0x92: {  	_ =	strace s18  }
0x93: {  	s3 =	sld [smem:$0x3FFC];
	_ =	sdelay $0x3  }
0x94: {  	_ =	strace s3  }
0x95: {  	s3 =	sld [smem:$0x3FFD];
	_ =	sdelay $0x3  }
0x96: {  	_ =	strace s3  }
0x97: {  	_ =	strace $0x8FFFFFFF  }
0x98: {  	s19 =	sld [smem:$0x3FDB];
	_ =	sdelay $0x1  }
0x99: {  	s4 =	simm.s32 $_scs_section_size  }
0x9a: {  	s5 =	simm.s32 $_size__tile_overlayer_lowered;
	s6 =	simm.s32 $_tile_overlayer_lowered  }
0x9b: {  	s22 =	simm.s32 $0x1BFF;
	s21 =	sshll.u32 s6, $0x1;
	s3 =	sadd.s32 s4, s19  }
0x9c: {  	s7 =	simm.s32 $0x0;
	s20 =	sshll.u32 s5, $0x1;
	s5 =	sadd.s32 s21, s3  }
0x9d: {  	[timem:s7], [sflag:s22] =	dma.local [hbm:s5], s20  }
0x9e: {  	_ =	swait.ge [sflag:s22], s20  }
0x9f: {  	s4 =	ssub.s32 $0x0, s20;
	[sflag:s22] =	ssyncset.done $0x0  }
0xa0: {  	[sflag:s22] =	ssyncadd.s32 s4;
	_ =	sdelay $0x1  }
0xa1: {  	s23 =	simm.s32 $0x1B8B  }
0xa2: {  	_ =	swait.ge [sflag:s23], $0x1  }
0xa3: {  	[sflag:s23] =	ssyncset.done $0x0  }
0xa4: {  	s25 =	simm.s32 $0x1B8E;
	s24 =	sld [smem:$0x3FFE];
	[sflag:s23] =	ssyncadd.s32 $0xFFFFFFFF  }
0xa5: {  	s26 =	simm.s32 $execute0_lowered;
	[smem:$0x3FD2] =	sst s25  }
0xa6: {  	s5 =	sshll.u32 s26, $0x1;
	_ =	strace $0x80000046;
	[dreg:$0x1] =	wrdreg $0xFFFFFFFF  }
0xa7: {  	s28 =	simm.s32 $_size_execute0_lowered;
	s3 =	sadd.s32 s3, s5;
	[dreg:$0x0] =	wrdreg $0x0  }
0xa8: {  	s5 =	sshll.u32 s28, $0x1;
	[dreg:$0x2] =	wrdreg s3  }
0xa9: {  	[dreg:$0x3] =	wrdreg s5  }
0xaa: {  	[dreg:$0x4] =	wrdreg $0xC0  }
0xab: {  	_ =	task [dreg:s7], $0x5FFFF  }
0xac: {  	[dreg:$0x1] =	wrdreg $0xFFFFFFFF  }
0xad: {  	[dreg:$0x0] =	wrdreg $0x60  }
0xae: {  	[dreg:$0x2] =	wrdreg s2  }
0xaf: {  	[dreg:$0x3] =	wrdreg s24  }
0xb0: {  	[dreg:$0x4] =	wrdreg $0x9  }
0xb1: {  	_ =	task.clear_ibuf [dreg:s7], $0x5FFFF;
	_ =	strace $0x90000046  }
0xb2: {  	s29 =	simm.s32 $0x9;
	_ =	strace $0x80000048  }
0xb3: {  	_ =	swait.ge [sflag:s29], $0x1  }
0xb4: {  	[sflag:s29] =	ssyncadd.s32 $0xFFFFFFFF  }
0xb5: {  	_ =	strace $0x90000048  }
0xb6: {  	_ =	sfence  }
0xb7: {  	s30 =	sld [smem:$0x0];
	_ =	sdelay $0x2  }
0xb8: {  	s31 =	sshll.u32 s1, $0xD;
	s1 =	sshrl.u32 s1, $0x2  }
0xb9: {  	s3 =	sand.u32 $0x4000, s31;
	s1 =	sadd.s32 s1, s30  }
0xba: {  	s0 =	sor.u32 s3, s0;
	s1 =	sshll.u32 s1, $0x11  }
0xbb: {  	s0 =	sor.u32 s1, s0  }
0xbc: {  	s0 =	sadd.s32 $0x8F2B, s0  }
0xbd: {  	[sflag:s0] =	ssyncadd.remote.s32 $0x1  }
0xbe: {  	_ =	sfence.sel $0xFFFF  }
0xbf: {  	[dreg:$0x0] =	wrdreg $0xFFFFFFFF;
	(pc) =	sbr.abs _section_cstart, $3  }
0xc0: {  	[dreg:$0x1] =	wrdreg $0xFFFFFFFF  }
0xc1: {  	_ =	task.clear_ibuf [dreg:s7], $0x2FFFF;
	_ =	strace $0x9FFFFFFF  }
0xc2: {  	(tm) =	ssettm $0x7FFFFFFF  }
0xc3: {  	_ =	shalt  }
tec
execute0_lowered:
.L_overlay_start_1:
0x0: {  	(tag) =	ssettag $0x1  }
0x1: {  	s0 =	rddreg [dreg:$0x0]  }
0x2: {  	s1 =	rddreg [dreg:$0x1]  }
0x3: {  	s2 =	srdreg.scid;
	s3 =	stileid.u32  }
0x4: {  	s16 =	simm.s32 $0x80;
	s17 =	simm.s32 $0x6400;
	s18 =	simm.s32 $0x48  }
0x5: {  	s19 =	simm.s32 $0xA400;
	s21 =	simm.s32 $0xC800;
	s23 =	simm.s32 $0x10800  }
0x6: {  	s24 =	simm.s32 $0x1;
	s29 =	simm.s32 $0x16C00;
	s30 =	simm.s32 $0x2  }
0x7: {  	s31 =	simm.s32 $0x4;
	s20 =	simm.s32 $0x3;
	s5 =	sand.u32 $0x1, s2  }
0x8: {  	s2 =	simm.s32 $0x0;
	s3 =	sshll.u32 s3, $0x8;
	s4 =	sshll.u32 s5, $0x7  }
0x9: {  	s22 =	simm.s32 $0x5;
	[smem:$0x7FF] =	sst s2;
	s3 =	sor.u32 s4, s3  }
0xa: {  	s7 =	ssub.s32 $0x2, s5;
	s5 =	sadd.s32 $0xA00, s1;
	s6 =	smul.u32 $0x19, s3  }
0xb: {  	_ =	strace $0x80000047;
	s25 =	sshrl.u32 s7, $0x1;
	s8 =	smul.u32 $0xC80, s3  }
0xc: {  	s4 =	sadd.s32 $0xF42E00, s1;
	s10 =	smul.u32 $0x6400, s3;
	s1 =	ssub.s32 s7, s25  }
0xd: {  	s11 =	sor.u32 $0x4, s3;
	s28 =	smax.u32 s1, $0x1;
	s0 =	sadd.s32 s0, s6  }
0xe: {  	s7 =	sadd.s32 s5, s8;
	s26 =	sshrl.u32 s10, $0x3;
	[dreg:$0x4] =	wrdreg s28  }
0xf: {  	s10 =	sor.u32 $0x3, s3;
	s6 =	simm.s32 $0x0;
	[dreg:$0x3] =	wrdreg s0  }
0x10: {  	s8 =	sadd.s32 $0xC80, s7;
	s9 =	sadd.s32 $0x1900, s7;
	s0 =	sadd.s32 s5, s26  }
0x11: {  	s12 =	sadd.s32 $0x62700, s0;
	s13 =	sadd.s32 $0x63380, s0;
	s0 =	simm.s32 $0x6  }
.LBB2_1:
0x12: {  	[dreg:$0x5] =	wrdreg s6  }
0x13: {  	s1 =	rddreg [dreg:$0x3];
	s25 =	simm.s32 $0x7  }
0x14: {  	[tilespmem:s2], [sflag:$0x7] =	stream.linear.gather [hbm4b:s1+s2], $0x6400, $0x38;
	[tilespmem:$0x19000] =	vst v63  }
0x15: {  	_ =	swait.ge [sflag:s25], $0x6400  }
0x16: {  	[sflag:s25] =	ssyncset.done $0x0  }
0x17: {  	[sflag:s25] =	ssyncadd.s32 $0xFFFF9C00  }
0x18: {  	[tilespmem:s17], [sflag:$0x1] =	stream.indirect.gather [hbm4b:s4+s16], $0x80, s2, s16, $0xb8;
	[tilespmem:$0x19000] =	vst v63  }
0x19: {  	_ = 	snop  }
0x1a: {  	[tilespmem:s19], [sflag:$0x1] =	stream.indirect.gather [hbm4b:s4+s18], $0x80, s16, s18, $0xb8;
	[tilespmem:$0x19000] =	vst v63  }
0x1b: {  	s26 =	simm.s32 $0xC8  }
0x1c: {  	[tilespmem:s21], [sflag:$0x2] =	stream.indirect.gather [hbm4b:s4+s16], $0x80, s26, s16, $0xb8;
	[tilespmem:$0x19000] =	vst v63  }
0x1d: {  	s28 =	simm.s32 $0x148  }
0x1e: {  	[tilespmem:s23], [sflag:$0x2] =	stream.indirect.gather [hbm4b:s4+s18], $0x80, s28, s18, $0xb8;
	[tilespmem:$0x19000] =	vst v63  }
0x1f: {  	_ =	swait.ge [sflag:s24], $0x4000  }
0x20: {  	[sflag:s24] =	ssyncset.done $0x0  }
0x21: {  	[sflag:s24] =	ssyncadd.s32 $0xFFFFC000  }
0x22: {  	_ =	swait.ge [sflag:s24], $0x2400  }
0x23: {  	[sflag:s24] =	ssyncset.done $0x0  }
0x24: {  	s6 =	simm.s32 $0x6500;
	[sflag:s24] =	ssyncadd.s32 $0xFFFFDC00  }
0x25: {  	v0 =	vld [tilespmem:s6+$0xB0]  }
0x26: {  	v1 =	vld [tilespmem:s6+$0xFFFFFF10]  }
0x27: {  	v2 =	vld [tilespmem:s6+$0xFFFFFF20]  }
0x28: {  	v3 =	vld [tilespmem:s6+$0xFFFFFF30]  }
0x29: {  	v4 =	vld [tilespmem:s6+$0xFFFFFF80]  }
0x2a: {  	v5 =	vld [tilespmem:s6+$0xFFFFFF90];
	v0 =	vmul.f32 $8.000000000e+00, v0  }
0x2b: {  	v6 =	vld [tilespmem:s6+$0xFFFFFFA0];
	v1 =	vmul.f32 $8.000000000e+00, v1  }
0x2c: {  	v7 =	vld [tilespmem:s6+$0xFFFFFFB0];
	v2 =	vmul.f32 $8.000000000e+00, v2;
	[tilespmem:s6+$0xB0] =	vst v0  }
0x2d: {  	[tilespmem:s6+$0xFFFFFF10] =	vst v1;
	v0 =	vmul.f32 $8.000000000e+00, v3;
	v3 =	vld [tilespmem:s6+$0x0]  }
0x2e: {  	[tilespmem:s6+$0xFFFFFF20] =	vst v2;
	v1 =	vmul.f32 $8.000000000e+00, v4;
	v4 =	vld [tilespmem:s6+$0x10]  }
0x2f: {  	v8 =	vld [tilespmem:s6+$0x20];
	v2 =	vmul.f32 $8.000000000e+00, v5;
	[tilespmem:s6+$0xFFFFFF30] =	vst v0  }
0x30: {  	v5 =	vmul.f32 $8.000000000e+00, v6;
	[tilespmem:s6+$0xFFFFFF80] =	vst v1;
	v0 =	vld [tilespmem:s6+$0x30]  }
0x31: {  	v6 =	vmul.f32 $8.000000000e+00, v7;
	[tilespmem:s6+$0xFFFFFF90] =	vst v2;
	v1 =	vld [tilespmem:s6+$0x80]  }
0x32: {  	[tilespmem:s6+$0xFFFFFFA0] =	vst v5;
	v2 =	vld [tilespmem:s6+$0x90];
	v7 =	vmul.f32 $8.000000000e+00, v3  }
0x33: {  	[tilespmem:s6+$0xFFFFFFB0] =	vst v6;
	v3 =	vld [tilespmem:s6+$0xA0];
	v5 =	vmul.f32 $8.000000000e+00, v4  }
0x34: {  	s14 =	simm.s32 $0x0;
	s15 =	simm.s32 $0x6700;
	v6 =	vmul.f32 $8.000000000e+00, v8;
	v4 =	vld [tilespmem:s6+$0xFFFFFF00];
	[tilespmem:s6+$0x0] =	vst v7  }
.LBB2_2:
0x35: {  	v7 =	vld [tilespmem:s15+$0xB0];
	s14 =	sadd.s32 $0x4, s14;
	[tilespmem:s6+$0x10] =	vst v5;
	v0 =	vmul.f32 $8.000000000e+00, v0  }
0x36: {  	v5 =	vld [tilespmem:s15+$0xFFFFFF10];
	p0 =	slt.u32 s14, $0xC4;
	[tilespmem:s6+$0x20] =	vst v6;
	v1 =	vmul.f32 $8.000000000e+00, v1  }
0x37: {  	v6 =	vld [tilespmem:s15+$0xFFFFFF20];
	[tilespmem:s6+$0x30] =	vst v0;
	v0 =	vmul.f32 $8.000000000e+00, v2  }
0x38: {  	v2 =	vld [tilespmem:s15+$0xFFFFFF30];
	[tilespmem:s6+$0x80] =	vst v1;
	v1 =	vmul.f32 $8.000000000e+00, v3  }
0x39: {  	v3 =	vld [tilespmem:s15+$0xFFFFFF80];
	v4 =	vmul.f32 $8.000000000e+00, v4;
	[tilespmem:s6+$0x90] =	vst v0  }
0x3a: {  	v0 =	vld [tilespmem:s15+$0xFFFFFF90];
	v7 =	vmul.f32 $8.000000000e+00, v7;
	[tilespmem:s6+$0xA0] =	vst v1  }
0x3b: {  	v1 =	vmul.f32 $8.000000000e+00, v5;
	v5 =	vld [tilespmem:s15+$0xFFFFFFA0];
	[tilespmem:s6+$0xFFFFFF00] =	vst v4;
	s6 =	smov.u32 s15  }
0x3c: {  	v4 =	vmul.f32 $8.000000000e+00, v6;
	v6 =	vld [tilespmem:s15+$0xFFFFFFB0];
	[tilespmem:s15+$0xB0] =	vst v7  }
0x3d: {  	[tilespmem:s15+$0xFFFFFF10] =	vst v1;
	v1 =	vmul.f32 $8.000000000e+00, v2;
	v2 =	vld [tilespmem:s15+$0x0]  }
0x3e: {  	[tilespmem:s15+$0xFFFFFF20] =	vst v4;
	v3 =	vmul.f32 $8.000000000e+00, v3;
	v4 =	vld [tilespmem:s15+$0x10]  }
0x3f: {  	[tilespmem:s15+$0xFFFFFF30] =	vst v1;
	v1 =	vmul.f32 $8.000000000e+00, v0;
	v7 =	vld [tilespmem:s15+$0x20]  }
.Ltmp0:
0x40: {  	[tilespmem:s15+$0xFFFFFF80] =	vst v3;
	v3 =	vmul.f32 $8.000000000e+00, v5;
	v0 =	vld [tilespmem:s15+$0x30];
	(pc) =	sbr.rel @p0 .LBB2_2-.Ltmp0, $4  }
0x41: {  	[tilespmem:s15+$0xFFFFFF90] =	vst v1;
	v5 =	vmul.f32 $8.000000000e+00, v6;
	v1 =	vld [tilespmem:s15+$0x80]  }
0x42: {  	[tilespmem:s15+$0xFFFFFFA0] =	vst v3;
	v6 =	vmul.f32 $8.000000000e+00, v2;
	v2 =	vld [tilespmem:s15+$0x90]  }
0x43: {  	[tilespmem:s15+$0xFFFFFFB0] =	vst v5;
	v5 =	vmul.f32 $8.000000000e+00, v4;
	v3 =	vld [tilespmem:s15+$0xA0]  }
0x44: {  	s15 =	sadd.s32 $0x200, s15;
	v4 =	vld [tilespmem:s6+$0xFFFFFF00];
	[tilespmem:s6+$0x0] =	vst v6;
	v6 =	vmul.f32 $8.000000000e+00, v7  }
0x45: {  	[tilespmem:s6+$0x10] =	vst v5;
	v0 =	vmul.f32 $8.000000000e+00, v0  }
0x46: {  	[tilespmem:s6+$0x20] =	vst v6;
	v1 =	vmul.f32 $8.000000000e+00, v1  }
0x47: {  	[tilespmem:s6+$0x30] =	vst v0;
	v61 =	vmul.f32 $8.000000000e+00, v2  }
0x48: {  	[tilespmem:s6+$0x80] =	vst v1;
	v62 =	vmul.f32 $8.000000000e+00, v3  }
0x49: {  	v63 =	vmul.f32 $8.000000000e+00, v4;
	[tilespmem:s6+$0x90] =	vst v61  }
0x4a: {  	s1 =	simm.s32 $0x6400;
	[tilespmem:s6+$0xA0] =	vst v62  }
0x4b: {  	s15 =	sadd.s32 $0x0, s7;
	s14 =	simm.s32 $0x6480;
	[tilespmem:s6+$0xFFFFFF00] =	vst v63;
	s6 =	simm.s32 $0x10  }
.LBB2_4:
0x4c: {  	[hbm4b:s15+s2] =	stream.linear.scatter [tilespmem:s1], [sflag:$0x4], $0x40, $0x38;
	[tilespmem:$0x19000] =	vst v63  }
0x4d: {  	s15 =	smov.u32 s6;
	s1 =	smov.u32 s14;
	p0 =	sne.s32 s6, $0xC70  }
.Ltmp1:
0x4e: {  	s6 =	sadd.s32 $0x10, s6;
	(pc) =	sbr.rel @p0 .LBB2_4-.Ltmp1, $2  }
0x4f: {  	_ =	sdelay $0x2  }
0x50: {  	s14 =	sadd.s32 $0x80, s14;
	s15 =	sadd.s32 s15, s7  }
0x51: {  	[hbm4b:s15+s2] =	stream.linear.scatter [tilespmem:s1], [sflag:$0x4], $0x40, $0x38;
	[tilespmem:$0x19000] =	vst v63  }
0x52: {  	s26 =	simm.s32 $0x190;
	s6 =	simm.s32 $0x12C00  }
0x53: {  	[tilespmem:s6], [sflag:$0x3] =	stream.indirect.gather [hbm4b:s4+s16], $0x80, s26, s16, $0xb8;
	[tilespmem:$0x19000] =	vst v63  }
0x54: {  	s28 =	simm.s32 $0x210  }
0x55: {  	[tilespmem:s29], [sflag:$0x3] =	stream.indirect.gather [hbm4b:s4+s18], $0x80, s28, s18, $0xb8;
	[tilespmem:$0x19000] =	vst v63  }
0x56: {  	_ =	swait.ge [sflag:s30], $0x4000  }
0x57: {  	[sflag:s30] =	ssyncset.done $0x0  }
0x58: {  	[sflag:s30] =	ssyncadd.s32 $0xFFFFC000  }
0x59: {  	_ =	swait.ge [sflag:s30], $0x2400  }
0x5a: {  	[sflag:s30] =	ssyncset.done $0x0  }
0x5b: {  	s6 =	simm.s32 $0xC900;
	[sflag:s30] =	ssyncadd.s32 $0xFFFFDC00  }
0x5c: {  	v0 =	vld [tilespmem:s6+$0xB0]  }
0x5d: {  	v1 =	vld [tilespmem:s6+$0xFFFFFF10]  }
0x5e: {  	v2 =	vld [tilespmem:s6+$0xFFFFFF20]  }
0x5f: {  	v3 =	vld [tilespmem:s6+$0xFFFFFF30]  }
0x60: {  	v4 =	vld [tilespmem:s6+$0xFFFFFF80]  }
0x61: {  	v5 =	vld [tilespmem:s6+$0xFFFFFF90];
	v0 =	vmul.f32 $8.000000000e+00, v0  }
0x62: {  	v6 =	vld [tilespmem:s6+$0xFFFFFFA0];
	v1 =	vmul.f32 $8.000000000e+00, v1  }
0x63: {  	v7 =	vld [tilespmem:s6+$0xFFFFFFB0];
	v2 =	vmul.f32 $8.000000000e+00, v2;
	[tilespmem:s6+$0xB0] =	vst v0  }
0x64: {  	[tilespmem:s6+$0xFFFFFF10] =	vst v1;
	v0 =	vmul.f32 $8.000000000e+00, v3;
	v3 =	vld [tilespmem:s6+$0x0]  }
0x65: {  	[tilespmem:s6+$0xFFFFFF20] =	vst v2;
	v1 =	vmul.f32 $8.000000000e+00, v4;
	v4 =	vld [tilespmem:s6+$0x10]  }
0x66: {  	v8 =	vld [tilespmem:s6+$0x20];
	v2 =	vmul.f32 $8.000000000e+00, v5;
	[tilespmem:s6+$0xFFFFFF30] =	vst v0  }
0x67: {  	v5 =	vmul.f32 $8.000000000e+00, v6;
	[tilespmem:s6+$0xFFFFFF80] =	vst v1;
	v0 =	vld [tilespmem:s6+$0x30]  }
0x68: {  	v6 =	vmul.f32 $8.000000000e+00, v7;
	[tilespmem:s6+$0xFFFFFF90] =	vst v2;
	v1 =	vld [tilespmem:s6+$0x80]  }
0x69: {  	[tilespmem:s6+$0xFFFFFFA0] =	vst v5;
	v2 =	vld [tilespmem:s6+$0x90];
	v7 =	vmul.f32 $8.000000000e+00, v3  }
0x6a: {  	[tilespmem:s6+$0xFFFFFFB0] =	vst v6;
	v3 =	vld [tilespmem:s6+$0xA0];
	v5 =	vmul.f32 $8.000000000e+00, v4  }
0x6b: {  	s14 =	simm.s32 $0x0;
	s15 =	simm.s32 $0xCB00;
	v6 =	vmul.f32 $8.000000000e+00, v8;
	v4 =	vld [tilespmem:s6+$0xFFFFFF00];
	[tilespmem:s6+$0x0] =	vst v7  }
.LBB2_6:
0x6c: {  	v7 =	vld [tilespmem:s15+$0xB0];
	s14 =	sadd.s32 $0x4, s14;
	[tilespmem:s6+$0x10] =	vst v5;
	v0 =	vmul.f32 $8.000000000e+00, v0  }
0x6d: {  	v5 =	vld [tilespmem:s15+$0xFFFFFF10];
	p0 =	slt.u32 s14, $0xC4;
	[tilespmem:s6+$0x20] =	vst v6;
	v1 =	vmul.f32 $8.000000000e+00, v1  }
0x6e: {  	v6 =	vld [tilespmem:s15+$0xFFFFFF20];
	[tilespmem:s6+$0x30] =	vst v0;
	v0 =	vmul.f32 $8.000000000e+00, v2  }
0x6f: {  	v2 =	vld [tilespmem:s15+$0xFFFFFF30];
	[tilespmem:s6+$0x80] =	vst v1;
	v1 =	vmul.f32 $8.000000000e+00, v3  }
0x70: {  	v3 =	vld [tilespmem:s15+$0xFFFFFF80];
	v4 =	vmul.f32 $8.000000000e+00, v4;
	[tilespmem:s6+$0x90] =	vst v0  }
0x71: {  	v0 =	vld [tilespmem:s15+$0xFFFFFF90];
	v7 =	vmul.f32 $8.000000000e+00, v7;
	[tilespmem:s6+$0xA0] =	vst v1  }
0x72: {  	v1 =	vmul.f32 $8.000000000e+00, v5;
	v5 =	vld [tilespmem:s15+$0xFFFFFFA0];
	[tilespmem:s6+$0xFFFFFF00] =	vst v4;
	s6 =	smov.u32 s15  }
0x73: {  	v4 =	vmul.f32 $8.000000000e+00, v6;
	v6 =	vld [tilespmem:s15+$0xFFFFFFB0];
	[tilespmem:s15+$0xB0] =	vst v7  }
0x74: {  	[tilespmem:s15+$0xFFFFFF10] =	vst v1;
	v1 =	vmul.f32 $8.000000000e+00, v2;
	v2 =	vld [tilespmem:s15+$0x0]  }
0x75: {  	[tilespmem:s15+$0xFFFFFF20] =	vst v4;
	v3 =	vmul.f32 $8.000000000e+00, v3;
	v4 =	vld [tilespmem:s15+$0x10]  }
0x76: {  	[tilespmem:s15+$0xFFFFFF30] =	vst v1;
	v1 =	vmul.f32 $8.000000000e+00, v0;
	v7 =	vld [tilespmem:s15+$0x20]  }
.Ltmp2:
0x77: {  	[tilespmem:s15+$0xFFFFFF80] =	vst v3;
	v3 =	vmul.f32 $8.000000000e+00, v5;
	v0 =	vld [tilespmem:s15+$0x30];
	(pc) =	sbr.rel @p0 .LBB2_6-.Ltmp2, $4  }
0x78: {  	[tilespmem:s15+$0xFFFFFF90] =	vst v1;
	v5 =	vmul.f32 $8.000000000e+00, v6;
	v1 =	vld [tilespmem:s15+$0x80]  }
0x79: {  	[tilespmem:s15+$0xFFFFFFA0] =	vst v3;
	v6 =	vmul.f32 $8.000000000e+00, v2;
	v2 =	vld [tilespmem:s15+$0x90]  }
0x7a: {  	[tilespmem:s15+$0xFFFFFFB0] =	vst v5;
	v5 =	vmul.f32 $8.000000000e+00, v4;
	v3 =	vld [tilespmem:s15+$0xA0]  }
0x7b: {  	s15 =	sadd.s32 $0x200, s15;
	v4 =	vld [tilespmem:s6+$0xFFFFFF00];
	[tilespmem:s6+$0x0] =	vst v6;
	v6 =	vmul.f32 $8.000000000e+00, v7  }
0x7c: {  	[tilespmem:s6+$0x10] =	vst v5;
	v0 =	vmul.f32 $8.000000000e+00, v0  }
0x7d: {  	[tilespmem:s6+$0x20] =	vst v6;
	v1 =	vmul.f32 $8.000000000e+00, v1  }
0x7e: {  	[tilespmem:s6+$0x30] =	vst v0;
	v61 =	vmul.f32 $8.000000000e+00, v2  }
0x7f: {  	[tilespmem:s6+$0x80] =	vst v1;
	v62 =	vmul.f32 $8.000000000e+00, v3  }
0x80: {  	v63 =	vmul.f32 $8.000000000e+00, v4;
	[tilespmem:s6+$0x90] =	vst v61  }
0x81: {  	s1 =	simm.s32 $0xC800;
	[tilespmem:s6+$0xA0] =	vst v62  }
0x82: {  	s15 =	sadd.s32 $0x0, s8;
	s14 =	simm.s32 $0xC880;
	[tilespmem:s6+$0xFFFFFF00] =	vst v63;
	s6 =	simm.s32 $0x10  }
.LBB2_8:
0x83: {  	[hbm4b:s15+s2] =	stream.linear.scatter [tilespmem:s1], [sflag:$0x5], $0x40, $0x38;
	[tilespmem:$0x19000] =	vst v63  }
0x84: {  	s15 =	smov.u32 s6;
	s1 =	smov.u32 s14;
	p0 =	sne.s32 s6, $0xC70  }
.Ltmp3:
0x85: {  	s6 =	sadd.s32 $0x10, s6;
	(pc) =	sbr.rel @p0 .LBB2_8-.Ltmp3, $2  }
0x86: {  	_ =	sdelay $0x2  }
0x87: {  	s14 =	sadd.s32 $0x80, s14;
	s15 =	sadd.s32 s15, s8  }
0x88: {  	[hbm4b:s15+s2] =	stream.linear.scatter [tilespmem:s1], [sflag:$0x5], $0x40, $0x38;
	[tilespmem:$0x19000] =	vst v63  }
0x89: {  	_ =	swait.ge [sflag:s31], $0x3200  }
0x8a: {  	[sflag:s31] =	ssyncset.done $0x0  }
0x8b: {  	s26 =	simm.s32 $0x258;
	[sflag:s31] =	ssyncadd.s32 $0xFFFFCE00  }
0x8c: {  	[tilespmem:s17], [sflag:$0x1] =	stream.indirect.gather [hbm4b:s4+s16], $0x80, s26, s16, $0xb8;
	[tilespmem:$0x19000] =	vst v63  }
0x8d: {  	s28 =	simm.s32 $0x2D8  }
0x8e: {  	[tilespmem:s19], [sflag:$0x1] =	stream.indirect.gather [hbm4b:s4+s18], $0x80, s28, s18, $0xb8;
	[tilespmem:$0x19000] =	vst v63  }
0x8f: {  	_ =	swait.ge [sflag:s20], $0x4000  }
0x90: {  	[sflag:s20] =	ssyncset.done $0x0  }
0x91: {  	[sflag:s20] =	ssyncadd.s32 $0xFFFFC000  }
0x92: {  	_ =	swait.ge [sflag:s20], $0x2400  }
0x93: {  	[sflag:s20] =	ssyncset.done $0x0  }
0x94: {  	s6 =	simm.s32 $0x12D00;
	[sflag:s20] =	ssyncadd.s32 $0xFFFFDC00  }
0x95: {  	v0 =	vld [tilespmem:s6+$0xB0]  }
0x96: {  	v1 =	vld [tilespmem:s6+$0xFFFFFF10]  }
0x97: {  	v2 =	vld [tilespmem:s6+$0xFFFFFF20]  }
0x98: {  	v3 =	vld [tilespmem:s6+$0xFFFFFF30]  }
0x99: {  	v4 =	vld [tilespmem:s6+$0xFFFFFF80]  }
0x9a: {  	v5 =	vld [tilespmem:s6+$0xFFFFFF90];
	v0 =	vmul.f32 $8.000000000e+00, v0  }
0x9b: {  	v6 =	vld [tilespmem:s6+$0xFFFFFFA0];
	v1 =	vmul.f32 $8.000000000e+00, v1  }
0x9c: {  	v7 =	vld [tilespmem:s6+$0xFFFFFFB0];
	v2 =	vmul.f32 $8.000000000e+00, v2;
	[tilespmem:s6+$0xB0] =	vst v0  }
0x9d: {  	[tilespmem:s6+$0xFFFFFF10] =	vst v1;
	v0 =	vmul.f32 $8.000000000e+00, v3;
	v3 =	vld [tilespmem:s6+$0x0]  }
0x9e: {  	[tilespmem:s6+$0xFFFFFF20] =	vst v2;
	v1 =	vmul.f32 $8.000000000e+00, v4;
	v4 =	vld [tilespmem:s6+$0x10]  }
0x9f: {  	v8 =	vld [tilespmem:s6+$0x20];
	v2 =	vmul.f32 $8.000000000e+00, v5;
	[tilespmem:s6+$0xFFFFFF30] =	vst v0  }
0xa0: {  	v5 =	vmul.f32 $8.000000000e+00, v6;
	[tilespmem:s6+$0xFFFFFF80] =	vst v1;
	v0 =	vld [tilespmem:s6+$0x30]  }
0xa1: {  	v6 =	vmul.f32 $8.000000000e+00, v7;
	[tilespmem:s6+$0xFFFFFF90] =	vst v2;
	v1 =	vld [tilespmem:s6+$0x80]  }
0xa2: {  	[tilespmem:s6+$0xFFFFFFA0] =	vst v5;
	v2 =	vld [tilespmem:s6+$0x90];
	v7 =	vmul.f32 $8.000000000e+00, v3  }
0xa3: {  	[tilespmem:s6+$0xFFFFFFB0] =	vst v6;
	v3 =	vld [tilespmem:s6+$0xA0];
	v5 =	vmul.f32 $8.000000000e+00, v4  }
0xa4: {  	s14 =	simm.s32 $0x0;
	s15 =	simm.s32 $0x12F00;
	v6 =	vmul.f32 $8.000000000e+00, v8;
	v4 =	vld [tilespmem:s6+$0xFFFFFF00];
	[tilespmem:s6+$0x0] =	vst v7  }
.LBB2_10:
0xa5: {  	v7 =	vld [tilespmem:s15+$0xB0];
	s14 =	sadd.s32 $0x4, s14;
	[tilespmem:s6+$0x10] =	vst v5;
	v0 =	vmul.f32 $8.000000000e+00, v0  }
0xa6: {  	v5 =	vld [tilespmem:s15+$0xFFFFFF10];
	p0 =	slt.u32 s14, $0xC4;
	[tilespmem:s6+$0x20] =	vst v6;
	v1 =	vmul.f32 $8.000000000e+00, v1  }
0xa7: {  	v6 =	vld [tilespmem:s15+$0xFFFFFF20];
	[tilespmem:s6+$0x30] =	vst v0;
	v0 =	vmul.f32 $8.000000000e+00, v2  }
0xa8: {  	v2 =	vld [tilespmem:s15+$0xFFFFFF30];
	[tilespmem:s6+$0x80] =	vst v1;
	v1 =	vmul.f32 $8.000000000e+00, v3  }
0xa9: {  	v3 =	vld [tilespmem:s15+$0xFFFFFF80];
	v4 =	vmul.f32 $8.000000000e+00, v4;
	[tilespmem:s6+$0x90] =	vst v0  }
0xaa: {  	v0 =	vld [tilespmem:s15+$0xFFFFFF90];
	v7 =	vmul.f32 $8.000000000e+00, v7;
	[tilespmem:s6+$0xA0] =	vst v1  }
0xab: {  	v1 =	vmul.f32 $8.000000000e+00, v5;
	v5 =	vld [tilespmem:s15+$0xFFFFFFA0];
	[tilespmem:s6+$0xFFFFFF00] =	vst v4;
	s6 =	smov.u32 s15  }
0xac: {  	v4 =	vmul.f32 $8.000000000e+00, v6;
	v6 =	vld [tilespmem:s15+$0xFFFFFFB0];
	[tilespmem:s15+$0xB0] =	vst v7  }
0xad: {  	[tilespmem:s15+$0xFFFFFF10] =	vst v1;
	v1 =	vmul.f32 $8.000000000e+00, v2;
	v2 =	vld [tilespmem:s15+$0x0]  }
0xae: {  	[tilespmem:s15+$0xFFFFFF20] =	vst v4;
	v3 =	vmul.f32 $8.000000000e+00, v3;
	v4 =	vld [tilespmem:s15+$0x10]  }
0xaf: {  	[tilespmem:s15+$0xFFFFFF30] =	vst v1;
	v1 =	vmul.f32 $8.000000000e+00, v0;
	v7 =	vld [tilespmem:s15+$0x20]  }
.Ltmp4:
0xb0: {  	[tilespmem:s15+$0xFFFFFF80] =	vst v3;
	v3 =	vmul.f32 $8.000000000e+00, v5;
	v0 =	vld [tilespmem:s15+$0x30];
	(pc) =	sbr.rel @p0 .LBB2_10-.Ltmp4, $4  }
0xb1: {  	[tilespmem:s15+$0xFFFFFF90] =	vst v1;
	v5 =	vmul.f32 $8.000000000e+00, v6;
	v1 =	vld [tilespmem:s15+$0x80]  }
0xb2: {  	[tilespmem:s15+$0xFFFFFFA0] =	vst v3;
	v6 =	vmul.f32 $8.000000000e+00, v2;
	v2 =	vld [tilespmem:s15+$0x90]  }
0xb3: {  	[tilespmem:s15+$0xFFFFFFB0] =	vst v5;
	v5 =	vmul.f32 $8.000000000e+00, v4;
	v3 =	vld [tilespmem:s15+$0xA0]  }
0xb4: {  	s15 =	sadd.s32 $0x200, s15;
	v4 =	vld [tilespmem:s6+$0xFFFFFF00];
	[tilespmem:s6+$0x0] =	vst v6;
	v6 =	vmul.f32 $8.000000000e+00, v7  }
0xb5: {  	[tilespmem:s6+$0x10] =	vst v5;
	v0 =	vmul.f32 $8.000000000e+00, v0  }
0xb6: {  	[tilespmem:s6+$0x20] =	vst v6;
	v1 =	vmul.f32 $8.000000000e+00, v1  }
0xb7: {  	[tilespmem:s6+$0x30] =	vst v0;
	v61 =	vmul.f32 $8.000000000e+00, v2  }
0xb8: {  	[tilespmem:s6+$0x80] =	vst v1;
	v62 =	vmul.f32 $8.000000000e+00, v3  }
0xb9: {  	v63 =	vmul.f32 $8.000000000e+00, v4;
	[tilespmem:s6+$0x90] =	vst v61  }
0xba: {  	s1 =	simm.s32 $0x12C00;
	[tilespmem:s6+$0xA0] =	vst v62  }
0xbb: {  	s15 =	sadd.s32 $0x0, s9;
	s14 =	simm.s32 $0x12C80;
	[tilespmem:s6+$0xFFFFFF00] =	vst v63;
	s6 =	simm.s32 $0x10  }
.LBB2_12:
0xbc: {  	[hbm4b:s15+s2] =	stream.linear.scatter [tilespmem:s1], [sflag:$0x6], $0x40, $0x38;
	[tilespmem:$0x19000] =	vst v63  }
0xbd: {  	s15 =	smov.u32 s6;
	s1 =	smov.u32 s14;
	p0 =	sne.s32 s6, $0xC70  }
.Ltmp5:
0xbe: {  	s6 =	sadd.s32 $0x10, s6;
	(pc) =	sbr.rel @p0 .LBB2_12-.Ltmp5, $2  }
0xbf: {  	_ =	sdelay $0x2  }
0xc0: {  	s14 =	sadd.s32 $0x80, s14;
	s15 =	sadd.s32 s15, s9  }
0xc1: {  	[hbm4b:s15+s2] =	stream.linear.scatter [tilespmem:s1], [sflag:$0x6], $0x40, $0x38;
	[tilespmem:$0x19000] =	vst v63  }
0xc2: {  	_ =	swait.ge [sflag:s22], $0x3200  }
0xc3: {  	[sflag:s22] =	ssyncset.done $0x0  }
0xc4: {  	s26 =	simm.s32 $0x320;
	[sflag:s22] =	ssyncadd.s32 $0xFFFFCE00  }
0xc5: {  	[tilespmem:s21], [sflag:$0x2] =	stream.indirect.gather [hbm4b:s4+s16], $0x80, s26, s16, $0xb8;
	[tilespmem:$0x19000] =	vst v63  }
0xc6: {  	s28 =	simm.s32 $0x3A0;
	s25 =	simm.s32 $0x0  }
0xc7: {  	[tilespmem:s23], [sflag:$0x2] =	stream.indirect.gather [hbm4b:s4+s18], $0x80, s28, s18, $0xb8;
	[tilespmem:$0x19000] =	vst v63  }
.LBB2_14:
0xc8: {  	_ =	swait.ge [sflag:s24], $0x4000  }
0xc9: {  	[sflag:s24] =	ssyncset.done $0x0  }
0xca: {  	[sflag:s24] =	ssyncadd.s32 $0xFFFFC000  }
0xcb: {  	_ =	swait.ge [sflag:s24], $0x2400  }
0xcc: {  	[sflag:s24] =	ssyncset.done $0x0  }
0xcd: {  	s28 =	simm.s32 $0x6500;
	[sflag:s24] =	ssyncadd.s32 $0xFFFFDC00  }
0xce: {  	v0 =	vld [tilespmem:s28+$0xB0]  }
0xcf: {  	v1 =	vld [tilespmem:s28+$0xFFFFFF10]  }
0xd0: {  	v2 =	vld [tilespmem:s28+$0xFFFFFF20]  }
0xd1: {  	v3 =	vld [tilespmem:s28+$0xFFFFFF30]  }
0xd2: {  	v4 =	vld [tilespmem:s28+$0xFFFFFF80]  }
0xd3: {  	v5 =	vld [tilespmem:s28+$0xFFFFFF90];
	v0 =	vmul.f32 $8.000000000e+00, v0  }
0xd4: {  	v6 =	vld [tilespmem:s28+$0xFFFFFFA0];
	v1 =	vmul.f32 $8.000000000e+00, v1  }
0xd5: {  	v7 =	vld [tilespmem:s28+$0xFFFFFFB0];
	v2 =	vmul.f32 $8.000000000e+00, v2;
	[tilespmem:s28+$0xB0] =	vst v0  }
0xd6: {  	[tilespmem:s28+$0xFFFFFF10] =	vst v1;
	v0 =	vmul.f32 $8.000000000e+00, v3;
	v1 =	vld [tilespmem:s28+$0x0]  }
0xd7: {  	v8 =	vld [tilespmem:s28+$0x10];
	[tilespmem:s28+$0xFFFFFF20] =	vst v2;
	v2 =	vmul.f32 $8.000000000e+00, v4  }
0xd8: {  	v9 =	vld [tilespmem:s28+$0x20];
	[tilespmem:s28+$0xFFFFFF30] =	vst v0;
	v0 =	vmul.f32 $8.000000000e+00, v5  }
0xd9: {  	v3 =	vld [tilespmem:s28+$0x30];
	[tilespmem:s28+$0xFFFFFF80] =	vst v2;
	v2 =	vmul.f32 $8.000000000e+00, v6  }
0xda: {  	v5 =	vmul.f32 $8.000000000e+00, v7;
	[tilespmem:s28+$0xFFFFFF90] =	vst v0;
	v0 =	vld [tilespmem:s28+$0x80]  }
0xdb: {  	v4 =	vld [tilespmem:s28+$0x90];
	[tilespmem:s28+$0xFFFFFFA0] =	vst v2;
	v6 =	vmul.f32 $8.000000000e+00, v1  }
0xdc: {  	[tilespmem:s28+$0xFFFFFFB0] =	vst v5;
	v5 =	vmul.f32 $8.000000000e+00, v8;
	v1 =	vld [tilespmem:s28+$0xA0]  }
0xdd: {  	s6 =	simm.s32 $0x0;
	s14 =	simm.s32 $0x6700;
	v2 =	vld [tilespmem:s28+$0xFFFFFF00];
	[tilespmem:s28+$0x0] =	vst v6;
	v6 =	vmul.f32 $8.000000000e+00, v9  }
.LBB2_15:
0xde: {  	v7 =	vld [tilespmem:s14+$0xB0];
	s6 =	sadd.s32 $0x4, s6;
	[tilespmem:s28+$0x10] =	vst v5;
	v3 =	vmul.f32 $8.000000000e+00, v3  }
0xdf: {  	v5 =	vld [tilespmem:s14+$0xFFFFFF10];
	p0 =	slt.u32 s6, $0xC4;
	[tilespmem:s28+$0x20] =	vst v6;
	v0 =	vmul.f32 $8.000000000e+00, v0  }
0xe0: {  	v6 =	vld [tilespmem:s14+$0xFFFFFF20];
	[tilespmem:s28+$0x30] =	vst v3;
	v3 =	vmul.f32 $8.000000000e+00, v4  }
0xe1: {  	v4 =	vld [tilespmem:s14+$0xFFFFFF30];
	[tilespmem:s28+$0x80] =	vst v0;
	v0 =	vmul.f32 $8.000000000e+00, v1  }
0xe2: {  	v1 =	vld [tilespmem:s14+$0xFFFFFF80];
	v2 =	vmul.f32 $8.000000000e+00, v2;
	[tilespmem:s28+$0x90] =	vst v3  }
0xe3: {  	v3 =	vld [tilespmem:s14+$0xFFFFFF90];
	v7 =	vmul.f32 $8.000000000e+00, v7;
	[tilespmem:s28+$0xA0] =	vst v0  }
0xe4: {  	v0 =	vmul.f32 $8.000000000e+00, v5;
	v5 =	vld [tilespmem:s14+$0xFFFFFFA0];
	[tilespmem:s28+$0xFFFFFF00] =	vst v2;
	s28 =	smov.u32 s14  }
0xe5: {  	v2 =	vmul.f32 $8.000000000e+00, v6;
	v6 =	vld [tilespmem:s14+$0xFFFFFFB0];
	[tilespmem:s14+$0xB0] =	vst v7  }
0xe6: {  	[tilespmem:s14+$0xFFFFFF10] =	vst v0;
	v0 =	vmul.f32 $8.000000000e+00, v4;
	v4 =	vld [tilespmem:s14+$0x0]  }
0xe7: {  	[tilespmem:s14+$0xFFFFFF20] =	vst v2;
	v1 =	vmul.f32 $8.000000000e+00, v1;
	v2 =	vld [tilespmem:s14+$0x10]  }
0xe8: {  	[tilespmem:s14+$0xFFFFFF30] =	vst v0;
	v0 =	vmul.f32 $8.000000000e+00, v3;
	v7 =	vld [tilespmem:s14+$0x20]  }
.Ltmp6:
0xe9: {  	[tilespmem:s14+$0xFFFFFF80] =	vst v1;
	v1 =	vmul.f32 $8.000000000e+00, v5;
	v3 =	vld [tilespmem:s14+$0x30];
	(pc) =	sbr.rel @p0 .LBB2_15-.Ltmp6, $4  }
0xea: {  	[tilespmem:s14+$0xFFFFFF90] =	vst v0;
	v5 =	vmul.f32 $8.000000000e+00, v6;
	v0 =	vld [tilespmem:s14+$0x80]  }
0xeb: {  	[tilespmem:s14+$0xFFFFFFA0] =	vst v1;
	v6 =	vmul.f32 $8.000000000e+00, v4;
	v4 =	vld [tilespmem:s14+$0x90]  }
0xec: {  	[tilespmem:s14+$0xFFFFFFB0] =	vst v5;
	v5 =	vmul.f32 $8.000000000e+00, v2;
	v1 =	vld [tilespmem:s14+$0xA0]  }
0xed: {  	s14 =	sadd.s32 $0x200, s14;
	v2 =	vld [tilespmem:s28+$0xFFFFFF00];
	[tilespmem:s28+$0x0] =	vst v6;
	v6 =	vmul.f32 $8.000000000e+00, v7  }
0xee: {  	[tilespmem:s28+$0x10] =	vst v5;
	v3 =	vmul.f32 $8.000000000e+00, v3;
	s6 =	smul.u32 $0x3, s25  }
0xef: {  	[tilespmem:s28+$0x20] =	vst v6;
	v0 =	vmul.f32 $8.000000000e+00, v0  }
0xf0: {  	[tilespmem:s28+$0x30] =	vst v3;
	v61 =	vmul.f32 $8.000000000e+00, v4;
	s1 =	sadd.s32 s6, s10  }
0xf1: {  	[tilespmem:s28+$0x80] =	vst v0;
	v62 =	vmul.f32 $8.000000000e+00, v1;
	s1 =	smul.u32 $0xC80, s1  }
0xf2: {  	v63 =	vmul.f32 $8.000000000e+00, v2;
	[tilespmem:s28+$0x90] =	vst v61  }
0xf3: {  	s14 =	simm.s32 $0x6400;
	[tilespmem:s28+$0xA0] =	vst v62;
	s1 =	sadd.s32 s5, s1  }
0xf4: {  	s15 =	simm.s32 $0x10;
	[tilespmem:s28+$0xFFFFFF00] =	vst v63;
	s26 =	sadd.s32 $0x0, s1;
	s28 =	simm.s32 $0x6480  }
.LBB2_17:
0xf5: {  	[hbm4b:s26+s2] =	stream.linear.scatter [tilespmem:s14], [sflag:$0x4], $0x40, $0x38;
	[tilespmem:$0x19000] =	vst v63  }
0xf6: {  	s26 =	smov.u32 s15;
	s14 =	smov.u32 s28;
	p0 =	sne.s32 s15, $0xC70  }
.Ltmp7:
0xf7: {  	s15 =	sadd.s32 $0x10, s15;
	(pc) =	sbr.rel @p0 .LBB2_17-.Ltmp7, $2  }
0xf8: {  	_ =	sdelay $0x2  }
0xf9: {  	s28 =	sadd.s32 $0x80, s28;
	s26 =	sadd.s32 s26, s1  }
0xfa: {  	[hbm4b:s26+s2] =	stream.linear.scatter [tilespmem:s14], [sflag:$0x4], $0x40, $0x38;
	[tilespmem:$0x19000] =	vst v63  }
0xfb: {  	s28 =	sadd.s32 $0x5, s6  }
0xfc: {  	_ =	swait.ge [sflag:s0], $0x3200;
	s1 =	smul.u32 $0x320, s28  }
0xfd: {  	[sflag:s0] =	ssyncset.done $0x0  }
0xfe: {  	s26 =	simm.s32 $0x12C00;
	[sflag:s0] =	ssyncadd.s32 $0xFFFFCE00;
	s1 =	sshra.s32 s1, $0x2  }
0xff: {  	[tilespmem:s26], [sflag:$0x3] =	stream.indirect.gather [hbm4b:s4+s16], $0x80, s1, s16, $0xb8;
	[tilespmem:$0x19000] =	vst v63  }
0x100: {  	s1 =	sadd.s32 $0x80, s1  }
0x101: {  	[tilespmem:s29], [sflag:$0x3] =	stream.indirect.gather [hbm4b:s4+s18], $0x80, s1, s18, $0xb8;
	[tilespmem:$0x19000] =	vst v63  }
0x102: {  	_ =	swait.ge [sflag:s30], $0x4000  }
0x103: {  	[sflag:s30] =	ssyncset.done $0x0  }
0x104: {  	[sflag:s30] =	ssyncadd.s32 $0xFFFFC000  }
0x105: {  	_ =	swait.ge [sflag:s30], $0x2400  }
0x106: {  	[sflag:s30] =	ssyncset.done $0x0  }
0x107: {  	s14 =	simm.s32 $0xC900;
	[sflag:s30] =	ssyncadd.s32 $0xFFFFDC00  }
0x108: {  	v0 =	vld [tilespmem:s14+$0xB0]  }
0x109: {  	v1 =	vld [tilespmem:s14+$0xFFFFFF10]  }
0x10a: {  	v2 =	vld [tilespmem:s14+$0xFFFFFF20]  }
0x10b: {  	v3 =	vld [tilespmem:s14+$0xFFFFFF30]  }
0x10c: {  	v4 =	vld [tilespmem:s14+$0xFFFFFF80]  }
0x10d: {  	v5 =	vld [tilespmem:s14+$0xFFFFFF90];
	v0 =	vmul.f32 $8.000000000e+00, v0  }
0x10e: {  	v6 =	vld [tilespmem:s14+$0xFFFFFFA0];
	v1 =	vmul.f32 $8.000000000e+00, v1  }
0x10f: {  	v7 =	vld [tilespmem:s14+$0xFFFFFFB0];
	v2 =	vmul.f32 $8.000000000e+00, v2;
	[tilespmem:s14+$0xB0] =	vst v0  }
0x110: {  	[tilespmem:s14+$0xFFFFFF10] =	vst v1;
	v0 =	vmul.f32 $8.000000000e+00, v3;
	v3 =	vld [tilespmem:s14+$0x0]  }
0x111: {  	v8 =	vld [tilespmem:s14+$0x10];
	[tilespmem:s14+$0xFFFFFF20] =	vst v2;
	v1 =	vmul.f32 $8.000000000e+00, v4  }
0x112: {  	v9 =	vld [tilespmem:s14+$0x20];
	v2 =	vmul.f32 $8.000000000e+00, v5;
	[tilespmem:s14+$0xFFFFFF30] =	vst v0  }
0x113: {  	v4 =	vmul.f32 $8.000000000e+00, v6;
	[tilespmem:s14+$0xFFFFFF80] =	vst v1;
	v0 =	vld [tilespmem:s14+$0x30]  }
0x114: {  	[tilespmem:s14+$0xFFFFFF90] =	vst v2;
	v2 =	vmul.f32 $8.000000000e+00, v7;
	v1 =	vld [tilespmem:s14+$0x80]  }
0x115: {  	[tilespmem:s14+$0xFFFFFFA0] =	vst v4;
	v4 =	vld [tilespmem:s14+$0x90];
	v6 =	vmul.f32 $8.000000000e+00, v3  }
0x116: {  	v5 =	vmul.f32 $8.000000000e+00, v8;
	[tilespmem:s14+$0xFFFFFFB0] =	vst v2;
	v2 =	vld [tilespmem:s14+$0xA0]  }
0x117: {  	s15 =	simm.s32 $0x0;
	s1 =	simm.s32 $0xCB00;
	v3 =	vld [tilespmem:s14+$0xFFFFFF00];
	[tilespmem:s14+$0x0] =	vst v6;
	v6 =	vmul.f32 $8.000000000e+00, v9  }
.LBB2_19:
0x118: {  	v7 =	vld [tilespmem:s1+$0xB0];
	s15 =	sadd.s32 $0x4, s15;
	[tilespmem:s14+$0x10] =	vst v5;
	v0 =	vmul.f32 $8.000000000e+00, v0  }
0x119: {  	v5 =	vld [tilespmem:s1+$0xFFFFFF10];
	p0 =	slt.u32 s15, $0xC4;
	[tilespmem:s14+$0x20] =	vst v6;
	v1 =	vmul.f32 $8.000000000e+00, v1  }
0x11a: {  	v6 =	vld [tilespmem:s1+$0xFFFFFF20];
	[tilespmem:s14+$0x30] =	vst v0;
	v0 =	vmul.f32 $8.000000000e+00, v4  }
0x11b: {  	v4 =	vld [tilespmem:s1+$0xFFFFFF30];
	[tilespmem:s14+$0x80] =	vst v1;
	v1 =	vmul.f32 $8.000000000e+00, v2  }
0x11c: {  	v2 =	vld [tilespmem:s1+$0xFFFFFF80];
	v3 =	vmul.f32 $8.000000000e+00, v3;
	[tilespmem:s14+$0x90] =	vst v0  }
0x11d: {  	v0 =	vld [tilespmem:s1+$0xFFFFFF90];
	v7 =	vmul.f32 $8.000000000e+00, v7;
	[tilespmem:s14+$0xA0] =	vst v1  }
0x11e: {  	v1 =	vmul.f32 $8.000000000e+00, v5;
	v5 =	vld [tilespmem:s1+$0xFFFFFFA0];
	[tilespmem:s14+$0xFFFFFF00] =	vst v3;
	s14 =	smov.u32 s1  }
0x11f: {  	v3 =	vmul.f32 $8.000000000e+00, v6;
	v6 =	vld [tilespmem:s1+$0xFFFFFFB0];
	[tilespmem:s1+$0xB0] =	vst v7  }
0x120: {  	[tilespmem:s1+$0xFFFFFF10] =	vst v1;
	v1 =	vmul.f32 $8.000000000e+00, v4;
	v4 =	vld [tilespmem:s1+$0x0]  }
0x121: {  	[tilespmem:s1+$0xFFFFFF20] =	vst v3;
	v2 =	vmul.f32 $8.000000000e+00, v2;
	v3 =	vld [tilespmem:s1+$0x10]  }
0x122: {  	[tilespmem:s1+$0xFFFFFF30] =	vst v1;
	v1 =	vmul.f32 $8.000000000e+00, v0;
	v7 =	vld [tilespmem:s1+$0x20]  }
.Ltmp8:
0x123: {  	[tilespmem:s1+$0xFFFFFF80] =	vst v2;
	v2 =	vmul.f32 $8.000000000e+00, v5;
	v0 =	vld [tilespmem:s1+$0x30];
	(pc) =	sbr.rel @p0 .LBB2_19-.Ltmp8, $4  }
0x124: {  	[tilespmem:s1+$0xFFFFFF90] =	vst v1;
	v5 =	vmul.f32 $8.000000000e+00, v6;
	v1 =	vld [tilespmem:s1+$0x80]  }
0x125: {  	[tilespmem:s1+$0xFFFFFFA0] =	vst v2;
	v6 =	vmul.f32 $8.000000000e+00, v4;
	v4 =	vld [tilespmem:s1+$0x90]  }
0x126: {  	[tilespmem:s1+$0xFFFFFFB0] =	vst v5;
	v5 =	vmul.f32 $8.000000000e+00, v3;
	v2 =	vld [tilespmem:s1+$0xA0]  }
0x127: {  	s1 =	sadd.s32 $0x200, s1;
	v3 =	vld [tilespmem:s14+$0xFFFFFF00];
	[tilespmem:s14+$0x0] =	vst v6;
	v6 =	vmul.f32 $8.000000000e+00, v7  }
0x128: {  	[tilespmem:s14+$0x10] =	vst v5;
	v0 =	vmul.f32 $8.000000000e+00, v0  }
0x129: {  	[tilespmem:s14+$0x20] =	vst v6;
	v1 =	vmul.f32 $8.000000000e+00, v1  }
0x12a: {  	s1 =	sadd.s32 s6, s11;
	[tilespmem:s14+$0x30] =	vst v0;
	v61 =	vmul.f32 $8.000000000e+00, v4  }
0x12b: {  	s1 =	smul.u32 $0xC80, s1;
	[tilespmem:s14+$0x80] =	vst v1;
	v62 =	vmul.f32 $8.000000000e+00, v2  }
0x12c: {  	v63 =	vmul.f32 $8.000000000e+00, v3;
	[tilespmem:s14+$0x90] =	vst v61  }
0x12d: {  	s6 =	simm.s32 $0xC800;
	s1 =	sadd.s32 s5, s1;
	[tilespmem:s14+$0xA0] =	vst v62  }
0x12e: {  	s15 =	simm.s32 $0xC880;
	s26 =	sadd.s32 $0x0, s1;
	[tilespmem:s14+$0xFFFFFF00] =	vst v63;
	s14 =	simm.s32 $0x10  }
.LBB2_21:
0x12f: {  	[hbm4b:s26+s2] =	stream.linear.scatter [tilespmem:s6], [sflag:$0x5], $0x40, $0x38;
	[tilespmem:$0x19000] =	vst v63  }
0x130: {  	s26 =	smov.u32 s14;
	s6 =	smov.u32 s15;
	p0 =	sne.s32 s14, $0xC70  }
.Ltmp9:
0x131: {  	s14 =	sadd.s32 $0x10, s14;
	(pc) =	sbr.rel @p0 .LBB2_21-.Ltmp9, $2  }
0x132: {  	_ =	sdelay $0x2  }
0x133: {  	s15 =	sadd.s32 $0x80, s15;
	s26 =	sadd.s32 s26, s1  }
0x134: {  	[hbm4b:s26+s2] =	stream.linear.scatter [tilespmem:s6], [sflag:$0x5], $0x40, $0x38;
	[tilespmem:$0x19000] =	vst v63  }
0x135: {  	s1 =	smul.u32 $0x960, s25  }
0x136: {  	_ =	swait.ge [sflag:s31], $0x3200  }
0x137: {  	[sflag:s31] =	ssyncset.done $0x0;
	s6 =	sshra.s32 s1, $0x2  }
0x138: {  	[sflag:s31] =	ssyncadd.s32 $0xFFFFCE00;
	s1 =	sadd.s32 $0x4B0, s6  }
0x139: {  	[tilespmem:s17], [sflag:$0x1] =	stream.indirect.gather [hbm4b:s4+s16], $0x80, s1, s16, $0xb8;
	[tilespmem:$0x19000] =	vst v63  }
0x13a: {  	s26 =	sadd.s32 $0x530, s6  }
0x13b: {  	[tilespmem:s19], [sflag:$0x1] =	stream.indirect.gather [hbm4b:s4+s18], $0x80, s26, s18, $0xb8;
	[tilespmem:$0x19000] =	vst v63  }
0x13c: {  	_ =	swait.ge [sflag:s20], $0x4000  }
0x13d: {  	[sflag:s20] =	ssyncset.done $0x0  }
0x13e: {  	[sflag:s20] =	ssyncadd.s32 $0xFFFFC000  }
0x13f: {  	_ =	swait.ge [sflag:s20], $0x2400  }
0x140: {  	[sflag:s20] =	ssyncset.done $0x0  }
0x141: {  	s14 =	simm.s32 $0x12D00;
	[sflag:s20] =	ssyncadd.s32 $0xFFFFDC00  }
0x142: {  	v0 =	vld [tilespmem:s14+$0xB0]  }
0x143: {  	v1 =	vld [tilespmem:s14+$0xFFFFFF10]  }
0x144: {  	v2 =	vld [tilespmem:s14+$0xFFFFFF20]  }
0x145: {  	v3 =	vld [tilespmem:s14+$0xFFFFFF30]  }
0x146: {  	v4 =	vld [tilespmem:s14+$0xFFFFFF80]  }
0x147: {  	v5 =	vld [tilespmem:s14+$0xFFFFFF90];
	v0 =	vmul.f32 $8.000000000e+00, v0  }
0x148: {  	v6 =	vld [tilespmem:s14+$0xFFFFFFA0];
	v1 =	vmul.f32 $8.000000000e+00, v1  }
0x149: {  	v7 =	vld [tilespmem:s14+$0xFFFFFFB0];
	v2 =	vmul.f32 $8.000000000e+00, v2;
	[tilespmem:s14+$0xB0] =	vst v0  }
0x14a: {  	[tilespmem:s14+$0xFFFFFF10] =	vst v1;
	v0 =	vmul.f32 $8.000000000e+00, v3;
	v3 =	vld [tilespmem:s14+$0x0]  }
0x14b: {  	v8 =	vld [tilespmem:s14+$0x10];
	[tilespmem:s14+$0xFFFFFF20] =	vst v2;
	v1 =	vmul.f32 $8.000000000e+00, v4  }
0x14c: {  	v9 =	vld [tilespmem:s14+$0x20];
	v2 =	vmul.f32 $8.000000000e+00, v5;
	[tilespmem:s14+$0xFFFFFF30] =	vst v0  }
0x14d: {  	v4 =	vmul.f32 $8.000000000e+00, v6;
	[tilespmem:s14+$0xFFFFFF80] =	vst v1;
	v0 =	vld [tilespmem:s14+$0x30]  }
0x14e: {  	[tilespmem:s14+$0xFFFFFF90] =	vst v2;
	v2 =	vmul.f32 $8.000000000e+00, v7;
	v1 =	vld [tilespmem:s14+$0x80]  }
0x14f: {  	[tilespmem:s14+$0xFFFFFFA0] =	vst v4;
	v4 =	vld [tilespmem:s14+$0x90];
	v6 =	vmul.f32 $8.000000000e+00, v3  }
0x150: {  	v5 =	vmul.f32 $8.000000000e+00, v8;
	[tilespmem:s14+$0xFFFFFFB0] =	vst v2;
	v2 =	vld [tilespmem:s14+$0xA0]  }
0x151: {  	s15 =	simm.s32 $0x0;
	s1 =	simm.s32 $0x12F00;
	v3 =	vld [tilespmem:s14+$0xFFFFFF00];
	[tilespmem:s14+$0x0] =	vst v6;
	v6 =	vmul.f32 $8.000000000e+00, v9  }
.LBB2_23:
0x152: {  	v7 =	vld [tilespmem:s1+$0xB0];
	s15 =	sadd.s32 $0x4, s15;
	[tilespmem:s14+$0x10] =	vst v5;
	v0 =	vmul.f32 $8.000000000e+00, v0  }
0x153: {  	v5 =	vld [tilespmem:s1+$0xFFFFFF10];
	p0 =	slt.u32 s15, $0xC4;
	[tilespmem:s14+$0x20] =	vst v6;
	v1 =	vmul.f32 $8.000000000e+00, v1  }
0x154: {  	v6 =	vld [tilespmem:s1+$0xFFFFFF20];
	[tilespmem:s14+$0x30] =	vst v0;
	v0 =	vmul.f32 $8.000000000e+00, v4  }
0x155: {  	v4 =	vld [tilespmem:s1+$0xFFFFFF30];
	[tilespmem:s14+$0x80] =	vst v1;
	v1 =	vmul.f32 $8.000000000e+00, v2  }
0x156: {  	v2 =	vld [tilespmem:s1+$0xFFFFFF80];
	v3 =	vmul.f32 $8.000000000e+00, v3;
	[tilespmem:s14+$0x90] =	vst v0  }
0x157: {  	v0 =	vld [tilespmem:s1+$0xFFFFFF90];
	v7 =	vmul.f32 $8.000000000e+00, v7;
	[tilespmem:s14+$0xA0] =	vst v1  }
0x158: {  	v1 =	vmul.f32 $8.000000000e+00, v5;
	v5 =	vld [tilespmem:s1+$0xFFFFFFA0];
	[tilespmem:s14+$0xFFFFFF00] =	vst v3;
	s14 =	smov.u32 s1  }
0x159: {  	v3 =	vmul.f32 $8.000000000e+00, v6;
	v6 =	vld [tilespmem:s1+$0xFFFFFFB0];
	[tilespmem:s1+$0xB0] =	vst v7  }
0x15a: {  	[tilespmem:s1+$0xFFFFFF10] =	vst v1;
	v1 =	vmul.f32 $8.000000000e+00, v4;
	v4 =	vld [tilespmem:s1+$0x0]  }
0x15b: {  	[tilespmem:s1+$0xFFFFFF20] =	vst v3;
	v2 =	vmul.f32 $8.000000000e+00, v2;
	v3 =	vld [tilespmem:s1+$0x10]  }
0x15c: {  	[tilespmem:s1+$0xFFFFFF30] =	vst v1;
	v1 =	vmul.f32 $8.000000000e+00, v0;
	v7 =	vld [tilespmem:s1+$0x20]  }
.Ltmp10:
0x15d: {  	[tilespmem:s1+$0xFFFFFF80] =	vst v2;
	v2 =	vmul.f32 $8.000000000e+00, v5;
	v0 =	vld [tilespmem:s1+$0x30];
	(pc) =	sbr.rel @p0 .LBB2_23-.Ltmp10, $4  }
0x15e: {  	[tilespmem:s1+$0xFFFFFF90] =	vst v1;
	v5 =	vmul.f32 $8.000000000e+00, v6;
	v1 =	vld [tilespmem:s1+$0x80]  }
0x15f: {  	[tilespmem:s1+$0xFFFFFFA0] =	vst v2;
	v6 =	vmul.f32 $8.000000000e+00, v4;
	v4 =	vld [tilespmem:s1+$0x90]  }
0x160: {  	[tilespmem:s1+$0xFFFFFFB0] =	vst v5;
	v5 =	vmul.f32 $8.000000000e+00, v3;
	v2 =	vld [tilespmem:s1+$0xA0]  }
0x161: {  	s1 =	sadd.s32 $0x200, s1;
	v3 =	vld [tilespmem:s14+$0xFFFFFF00];
	[tilespmem:s14+$0x0] =	vst v6;
	v6 =	vmul.f32 $8.000000000e+00, v7  }
0x162: {  	[tilespmem:s14+$0x10] =	vst v5;
	v0 =	vmul.f32 $8.000000000e+00, v0  }
0x163: {  	[tilespmem:s14+$0x20] =	vst v6;
	v1 =	vmul.f32 $8.000000000e+00, v1  }
0x164: {  	s1 =	sadd.s32 s3, s28;
	[tilespmem:s14+$0x30] =	vst v0;
	v61 =	vmul.f32 $8.000000000e+00, v4  }
0x165: {  	s1 =	smul.u32 $0xC80, s1;
	[tilespmem:s14+$0x80] =	vst v1;
	v62 =	vmul.f32 $8.000000000e+00, v2  }
0x166: {  	v63 =	vmul.f32 $8.000000000e+00, v3;
	[tilespmem:s14+$0x90] =	vst v61  }
0x167: {  	s15 =	simm.s32 $0x12C00;
	s1 =	sadd.s32 s5, s1;
	[tilespmem:s14+$0xA0] =	vst v62  }
0x168: {  	s28 =	simm.s32 $0x12C80;
	s26 =	sadd.s32 $0x0, s1;
	[tilespmem:s14+$0xFFFFFF00] =	vst v63;
	s14 =	simm.s32 $0x10  }
.LBB2_25:
0x169: {  	[hbm4b:s26+s2] =	stream.linear.scatter [tilespmem:s15], [sflag:$0x6], $0x40, $0x38;
	[tilespmem:$0x19000] =	vst v63  }
0x16a: {  	s26 =	smov.u32 s14;
	s15 =	smov.u32 s28;
	p0 =	sne.s32 s14, $0xC70  }
.Ltmp11:
0x16b: {  	s14 =	sadd.s32 $0x10, s14;
	(pc) =	sbr.rel @p0 .LBB2_25-.Ltmp11, $2  }
0x16c: {  	_ =	sdelay $0x2  }
0x16d: {  	s28 =	sadd.s32 $0x80, s28;
	s26 =	sadd.s32 s26, s1  }
0x16e: {  	[hbm4b:s26+s2] =	stream.linear.scatter [tilespmem:s15], [sflag:$0x6], $0x40, $0x38;
	[tilespmem:$0x19000] =	vst v63  }
0x16f: {  	s25 =	sadd.s32 $0x1, s25  }
0x170: {  	_ =	swait.ge [sflag:s22], $0x3200;
	p0 =	sne.s32 s25, $0x29  }
.Ltmp12:
0x171: {  	[sflag:s22] =	ssyncset.done $0x0;
	(pc) =	sbr.rel @p0 .LBB2_14-.Ltmp12, $4  }
0x172: {  	s1 =	sadd.s32 $0x578, s6;
	[sflag:s22] =	ssyncadd.s32 $0xFFFFCE00  }
0x173: {  	[tilespmem:s21], [sflag:$0x2] =	stream.indirect.gather [hbm4b:s4+s16], $0x80, s1, s16, $0xb8;
	[tilespmem:$0x19000] =	vst v63  }
0x174: {  	s28 =	sadd.s32 $0x5F8, s6  }
0x175: {  	[tilespmem:s23], [sflag:$0x2] =	stream.indirect.gather [hbm4b:s4+s18], $0x80, s28, s18, $0xb8;
	[tilespmem:$0x19000] =	vst v63  }
0x176: {  	_ =	swait.ge [sflag:s24], $0x4000  }
0x177: {  	[sflag:s24] =	ssyncset.done $0x0  }
0x178: {  	[sflag:s24] =	ssyncadd.s32 $0xFFFFC000  }
0x179: {  	_ =	swait.ge [sflag:s24], $0x2400  }
0x17a: {  	[sflag:s24] =	ssyncset.done $0x0  }
0x17b: {  	s6 =	simm.s32 $0x6500;
	[sflag:s24] =	ssyncadd.s32 $0xFFFFDC00  }
0x17c: {  	v0 =	vld [tilespmem:s6+$0xB0]  }
0x17d: {  	v1 =	vld [tilespmem:s6+$0xFFFFFF10]  }
0x17e: {  	v2 =	vld [tilespmem:s6+$0xFFFFFF20]  }
0x17f: {  	v3 =	vld [tilespmem:s6+$0xFFFFFF30]  }
0x180: {  	v4 =	vld [tilespmem:s6+$0xFFFFFF80]  }
0x181: {  	v5 =	vld [tilespmem:s6+$0xFFFFFF90];
	v0 =	vmul.f32 $8.000000000e+00, v0  }
0x182: {  	v6 =	vld [tilespmem:s6+$0xFFFFFFA0];
	v1 =	vmul.f32 $8.000000000e+00, v1  }
0x183: {  	v7 =	vld [tilespmem:s6+$0xFFFFFFB0];
	v2 =	vmul.f32 $8.000000000e+00, v2;
	[tilespmem:s6+$0xB0] =	vst v0  }
0x184: {  	[tilespmem:s6+$0xFFFFFF10] =	vst v1;
	v0 =	vmul.f32 $8.000000000e+00, v3;
	v3 =	vld [tilespmem:s6+$0x0]  }
0x185: {  	[tilespmem:s6+$0xFFFFFF20] =	vst v2;
	v1 =	vmul.f32 $8.000000000e+00, v4;
	v4 =	vld [tilespmem:s6+$0x10]  }
0x186: {  	v8 =	vld [tilespmem:s6+$0x20];
	v2 =	vmul.f32 $8.000000000e+00, v5;
	[tilespmem:s6+$0xFFFFFF30] =	vst v0  }
0x187: {  	v5 =	vmul.f32 $8.000000000e+00, v6;
	[tilespmem:s6+$0xFFFFFF80] =	vst v1;
	v0 =	vld [tilespmem:s6+$0x30]  }
0x188: {  	v6 =	vmul.f32 $8.000000000e+00, v7;
	[tilespmem:s6+$0xFFFFFF90] =	vst v2;
	v1 =	vld [tilespmem:s6+$0x80]  }
0x189: {  	[tilespmem:s6+$0xFFFFFFA0] =	vst v5;
	v2 =	vld [tilespmem:s6+$0x90];
	v7 =	vmul.f32 $8.000000000e+00, v3  }
0x18a: {  	[tilespmem:s6+$0xFFFFFFB0] =	vst v6;
	v3 =	vld [tilespmem:s6+$0xA0];
	v5 =	vmul.f32 $8.000000000e+00, v4  }
0x18b: {  	s14 =	simm.s32 $0x0;
	s1 =	simm.s32 $0x6700;
	v6 =	vmul.f32 $8.000000000e+00, v8;
	v4 =	vld [tilespmem:s6+$0xFFFFFF00];
	[tilespmem:s6+$0x0] =	vst v7  }
.LBB2_28:
0x18c: {  	v7 =	vld [tilespmem:s1+$0xB0];
	s14 =	sadd.s32 $0x4, s14;
	[tilespmem:s6+$0x10] =	vst v5;
	v0 =	vmul.f32 $8.000000000e+00, v0  }
0x18d: {  	v5 =	vld [tilespmem:s1+$0xFFFFFF10];
	p0 =	slt.u32 s14, $0xC4;
	[tilespmem:s6+$0x20] =	vst v6;
	v1 =	vmul.f32 $8.000000000e+00, v1  }
0x18e: {  	v6 =	vld [tilespmem:s1+$0xFFFFFF20];
	[tilespmem:s6+$0x30] =	vst v0;
	v0 =	vmul.f32 $8.000000000e+00, v2  }
0x18f: {  	v2 =	vld [tilespmem:s1+$0xFFFFFF30];
	[tilespmem:s6+$0x80] =	vst v1;
	v1 =	vmul.f32 $8.000000000e+00, v3  }
0x190: {  	v3 =	vld [tilespmem:s1+$0xFFFFFF80];
	v4 =	vmul.f32 $8.000000000e+00, v4;
	[tilespmem:s6+$0x90] =	vst v0  }
0x191: {  	v0 =	vld [tilespmem:s1+$0xFFFFFF90];
	v7 =	vmul.f32 $8.000000000e+00, v7;
	[tilespmem:s6+$0xA0] =	vst v1  }
0x192: {  	v1 =	vmul.f32 $8.000000000e+00, v5;
	v5 =	vld [tilespmem:s1+$0xFFFFFFA0];
	[tilespmem:s6+$0xFFFFFF00] =	vst v4;
	s6 =	smov.u32 s1  }
0x193: {  	v4 =	vmul.f32 $8.000000000e+00, v6;
	v6 =	vld [tilespmem:s1+$0xFFFFFFB0];
	[tilespmem:s1+$0xB0] =	vst v7  }
0x194: {  	[tilespmem:s1+$0xFFFFFF10] =	vst v1;
	v1 =	vmul.f32 $8.000000000e+00, v2;
	v2 =	vld [tilespmem:s1+$0x0]  }
0x195: {  	[tilespmem:s1+$0xFFFFFF20] =	vst v4;
	v3 =	vmul.f32 $8.000000000e+00, v3;
	v4 =	vld [tilespmem:s1+$0x10]  }
0x196: {  	[tilespmem:s1+$0xFFFFFF30] =	vst v1;
	v1 =	vmul.f32 $8.000000000e+00, v0;
	v7 =	vld [tilespmem:s1+$0x20]  }
.Ltmp13:
0x197: {  	[tilespmem:s1+$0xFFFFFF80] =	vst v3;
	v3 =	vmul.f32 $8.000000000e+00, v5;
	v0 =	vld [tilespmem:s1+$0x30];
	(pc) =	sbr.rel @p0 .LBB2_28-.Ltmp13, $4  }
0x198: {  	[tilespmem:s1+$0xFFFFFF90] =	vst v1;
	v5 =	vmul.f32 $8.000000000e+00, v6;
	v1 =	vld [tilespmem:s1+$0x80]  }
0x199: {  	[tilespmem:s1+$0xFFFFFFA0] =	vst v3;
	v6 =	vmul.f32 $8.000000000e+00, v2;
	v2 =	vld [tilespmem:s1+$0x90]  }
0x19a: {  	[tilespmem:s1+$0xFFFFFFB0] =	vst v5;
	v5 =	vmul.f32 $8.000000000e+00, v4;
	v3 =	vld [tilespmem:s1+$0xA0]  }
0x19b: {  	s1 =	sadd.s32 $0x200, s1;
	v4 =	vld [tilespmem:s6+$0xFFFFFF00];
	[tilespmem:s6+$0x0] =	vst v6;
	v6 =	vmul.f32 $8.000000000e+00, v7  }
0x19c: {  	[tilespmem:s6+$0x10] =	vst v5;
	v0 =	vmul.f32 $8.000000000e+00, v0  }
0x19d: {  	[tilespmem:s6+$0x20] =	vst v6;
	v1 =	vmul.f32 $8.000000000e+00, v1  }
0x19e: {  	[tilespmem:s6+$0x30] =	vst v0;
	v61 =	vmul.f32 $8.000000000e+00, v2  }
0x19f: {  	[tilespmem:s6+$0x80] =	vst v1;
	v62 =	vmul.f32 $8.000000000e+00, v3  }
0x1a0: {  	v63 =	vmul.f32 $8.000000000e+00, v4;
	[tilespmem:s6+$0x90] =	vst v61  }
0x1a1: {  	s1 =	simm.s32 $0x6400;
	[tilespmem:s6+$0xA0] =	vst v62  }
0x1a2: {  	s15 =	sadd.s32 $0x0, s12;
	s14 =	simm.s32 $0x6480;
	[tilespmem:s6+$0xFFFFFF00] =	vst v63;
	s6 =	simm.s32 $0x10  }
.LBB2_30:
0x1a3: {  	[hbm4b:s15+s2] =	stream.linear.scatter [tilespmem:s1], [sflag:$0x4], $0x40, $0x38;
	[tilespmem:$0x19000] =	vst v63  }
0x1a4: {  	s15 =	smov.u32 s6;
	s1 =	smov.u32 s14;
	p0 =	sne.s32 s6, $0xC70  }
.Ltmp14:
0x1a5: {  	s6 =	sadd.s32 $0x10, s6;
	(pc) =	sbr.rel @p0 .LBB2_30-.Ltmp14, $2  }
0x1a6: {  	_ =	sdelay $0x2  }
0x1a7: {  	s14 =	sadd.s32 $0x80, s14;
	s15 =	sadd.s32 s15, s12  }
0x1a8: {  	[hbm4b:s15+s2] =	stream.linear.scatter [tilespmem:s1], [sflag:$0x4], $0x40, $0x38;
	[tilespmem:$0x19000] =	vst v63  }
0x1a9: {  	_ =	swait.ge [sflag:s30], $0x4000  }
0x1aa: {  	[sflag:s30] =	ssyncset.done $0x0  }
0x1ab: {  	[sflag:s30] =	ssyncadd.s32 $0xFFFFC000  }
0x1ac: {  	_ =	swait.ge [sflag:s30], $0x2400  }
0x1ad: {  	[sflag:s30] =	ssyncset.done $0x0  }
0x1ae: {  	s6 =	simm.s32 $0xC900;
	[sflag:s30] =	ssyncadd.s32 $0xFFFFDC00  }
0x1af: {  	v0 =	vld [tilespmem:s6+$0xB0]  }
0x1b0: {  	v1 =	vld [tilespmem:s6+$0xFFFFFF10]  }
0x1b1: {  	v2 =	vld [tilespmem:s6+$0xFFFFFF20]  }
0x1b2: {  	v3 =	vld [tilespmem:s6+$0xFFFFFF30]  }
0x1b3: {  	v4 =	vld [tilespmem:s6+$0xFFFFFF80]  }
0x1b4: {  	v5 =	vld [tilespmem:s6+$0xFFFFFF90];
	v0 =	vmul.f32 $8.000000000e+00, v0  }
0x1b5: {  	v6 =	vld [tilespmem:s6+$0xFFFFFFA0];
	v1 =	vmul.f32 $8.000000000e+00, v1  }
0x1b6: {  	v7 =	vld [tilespmem:s6+$0xFFFFFFB0];
	v2 =	vmul.f32 $8.000000000e+00, v2;
	[tilespmem:s6+$0xB0] =	vst v0  }
0x1b7: {  	[tilespmem:s6+$0xFFFFFF10] =	vst v1;
	v0 =	vmul.f32 $8.000000000e+00, v3;
	v3 =	vld [tilespmem:s6+$0x0]  }
0x1b8: {  	[tilespmem:s6+$0xFFFFFF20] =	vst v2;
	v1 =	vmul.f32 $8.000000000e+00, v4;
	v4 =	vld [tilespmem:s6+$0x10]  }
0x1b9: {  	v8 =	vld [tilespmem:s6+$0x20];
	v2 =	vmul.f32 $8.000000000e+00, v5;
	[tilespmem:s6+$0xFFFFFF30] =	vst v0  }
0x1ba: {  	v5 =	vmul.f32 $8.000000000e+00, v6;
	[tilespmem:s6+$0xFFFFFF80] =	vst v1;
	v0 =	vld [tilespmem:s6+$0x30]  }
0x1bb: {  	v6 =	vmul.f32 $8.000000000e+00, v7;
	[tilespmem:s6+$0xFFFFFF90] =	vst v2;
	v1 =	vld [tilespmem:s6+$0x80]  }
0x1bc: {  	[tilespmem:s6+$0xFFFFFFA0] =	vst v5;
	v2 =	vld [tilespmem:s6+$0x90];
	v7 =	vmul.f32 $8.000000000e+00, v3  }
0x1bd: {  	[tilespmem:s6+$0xFFFFFFB0] =	vst v6;
	v3 =	vld [tilespmem:s6+$0xA0];
	v5 =	vmul.f32 $8.000000000e+00, v4  }
0x1be: {  	s14 =	simm.s32 $0x0;
	s1 =	simm.s32 $0xCB00;
	v6 =	vmul.f32 $8.000000000e+00, v8;
	v4 =	vld [tilespmem:s6+$0xFFFFFF00];
	[tilespmem:s6+$0x0] =	vst v7  }
.LBB2_32:
0x1bf: {  	v7 =	vld [tilespmem:s1+$0xB0];
	s14 =	sadd.s32 $0x4, s14;
	[tilespmem:s6+$0x10] =	vst v5;
	v0 =	vmul.f32 $8.000000000e+00, v0  }
0x1c0: {  	v5 =	vld [tilespmem:s1+$0xFFFFFF10];
	p0 =	slt.u32 s14, $0xC4;
	[tilespmem:s6+$0x20] =	vst v6;
	v1 =	vmul.f32 $8.000000000e+00, v1  }
0x1c1: {  	v6 =	vld [tilespmem:s1+$0xFFFFFF20];
	[tilespmem:s6+$0x30] =	vst v0;
	v0 =	vmul.f32 $8.000000000e+00, v2  }
0x1c2: {  	v2 =	vld [tilespmem:s1+$0xFFFFFF30];
	[tilespmem:s6+$0x80] =	vst v1;
	v1 =	vmul.f32 $8.000000000e+00, v3  }
0x1c3: {  	v3 =	vld [tilespmem:s1+$0xFFFFFF80];
	v4 =	vmul.f32 $8.000000000e+00, v4;
	[tilespmem:s6+$0x90] =	vst v0  }
0x1c4: {  	v0 =	vld [tilespmem:s1+$0xFFFFFF90];
	v7 =	vmul.f32 $8.000000000e+00, v7;
	[tilespmem:s6+$0xA0] =	vst v1  }
0x1c5: {  	v1 =	vmul.f32 $8.000000000e+00, v5;
	v5 =	vld [tilespmem:s1+$0xFFFFFFA0];
	[tilespmem:s6+$0xFFFFFF00] =	vst v4;
	s6 =	smov.u32 s1  }
0x1c6: {  	v4 =	vmul.f32 $8.000000000e+00, v6;
	v6 =	vld [tilespmem:s1+$0xFFFFFFB0];
	[tilespmem:s1+$0xB0] =	vst v7  }
0x1c7: {  	[tilespmem:s1+$0xFFFFFF10] =	vst v1;
	v1 =	vmul.f32 $8.000000000e+00, v2;
	v2 =	vld [tilespmem:s1+$0x0]  }
0x1c8: {  	[tilespmem:s1+$0xFFFFFF20] =	vst v4;
	v3 =	vmul.f32 $8.000000000e+00, v3;
	v4 =	vld [tilespmem:s1+$0x10]  }
0x1c9: {  	[tilespmem:s1+$0xFFFFFF30] =	vst v1;
	v1 =	vmul.f32 $8.000000000e+00, v0;
	v7 =	vld [tilespmem:s1+$0x20]  }
.Ltmp15:
0x1ca: {  	[tilespmem:s1+$0xFFFFFF80] =	vst v3;
	v3 =	vmul.f32 $8.000000000e+00, v5;
	v0 =	vld [tilespmem:s1+$0x30];
	(pc) =	sbr.rel @p0 .LBB2_32-.Ltmp15, $4  }
0x1cb: {  	[tilespmem:s1+$0xFFFFFF90] =	vst v1;
	v5 =	vmul.f32 $8.000000000e+00, v6;
	v1 =	vld [tilespmem:s1+$0x80]  }
0x1cc: {  	[tilespmem:s1+$0xFFFFFFA0] =	vst v3;
	v6 =	vmul.f32 $8.000000000e+00, v2;
	v2 =	vld [tilespmem:s1+$0x90]  }
0x1cd: {  	[tilespmem:s1+$0xFFFFFFB0] =	vst v5;
	v5 =	vmul.f32 $8.000000000e+00, v4;
	v3 =	vld [tilespmem:s1+$0xA0]  }
0x1ce: {  	s1 =	sadd.s32 $0x200, s1;
	v4 =	vld [tilespmem:s6+$0xFFFFFF00];
	[tilespmem:s6+$0x0] =	vst v6;
	v6 =	vmul.f32 $8.000000000e+00, v7  }
0x1cf: {  	[tilespmem:s6+$0x10] =	vst v5;
	v0 =	vmul.f32 $8.000000000e+00, v0  }
0x1d0: {  	[tilespmem:s6+$0x20] =	vst v6;
	v1 =	vmul.f32 $8.000000000e+00, v1  }
0x1d1: {  	[tilespmem:s6+$0x30] =	vst v0;
	v61 =	vmul.f32 $8.000000000e+00, v2  }
0x1d2: {  	[tilespmem:s6+$0x80] =	vst v1;
	v62 =	vmul.f32 $8.000000000e+00, v3  }
0x1d3: {  	v63 =	vmul.f32 $8.000000000e+00, v4;
	[tilespmem:s6+$0x90] =	vst v61  }
0x1d4: {  	s1 =	simm.s32 $0xC800;
	[tilespmem:s6+$0xA0] =	vst v62  }
0x1d5: {  	s15 =	sadd.s32 $0x0, s13;
	s14 =	simm.s32 $0xC880;
	[tilespmem:s6+$0xFFFFFF00] =	vst v63;
	s6 =	simm.s32 $0x10  }
.LBB2_34:
0x1d6: {  	[hbm4b:s15+s2] =	stream.linear.scatter [tilespmem:s1], [sflag:$0x5], $0x40, $0x38;
	[tilespmem:$0x19000] =	vst v63  }
0x1d7: {  	s15 =	smov.u32 s6;
	s1 =	smov.u32 s14;
	p0 =	sne.s32 s6, $0xC70  }
.Ltmp16:
0x1d8: {  	s6 =	sadd.s32 $0x10, s6;
	(pc) =	sbr.rel @p0 .LBB2_34-.Ltmp16, $2  }
0x1d9: {  	_ =	sdelay $0x2  }
0x1da: {  	s14 =	sadd.s32 $0x80, s14;
	s15 =	sadd.s32 s15, s13  }
0x1db: {  	[hbm4b:s15+s2] =	stream.linear.scatter [tilespmem:s1], [sflag:$0x5], $0x40, $0x38;
	[tilespmem:$0x19000] =	vst v63  }
0x1dc: {  	_ =	swait.ge [sflag:s0], $0x3200  }
0x1dd: {  	[sflag:s0] =	ssyncset.done $0x0  }
0x1de: {  	[sflag:s0] =	ssyncadd.s32 $0xFFFFCE00  }
0x1df: {  	_ =	swait.ge [sflag:s31], $0x3200  }
0x1e0: {  	[sflag:s31] =	ssyncset.done $0x0  }
0x1e1: {  	[sflag:s31] =	ssyncadd.s32 $0xFFFFCE00  }
0x1e2: {  	_ =	swait.ge [sflag:s22], $0x3200  }
0x1e3: {  	s6 =	rddreg [dreg:$0x5]  }
0x1e4: {  	s28 =	rddreg [dreg:$0x4];
	s6 =	sadd.s32 $0x1, s6  }
0x1e5: {  	p0 =	sne.s32 s6, s28  }
.Ltmp17:
0x1e6: {  	_ = 	snop;
	(pc) =	sbr.rel @p0 .LBB2_1-.Ltmp17, $3  }
0x1e7: {  	_ =	sdelay $0x1  }
0x1e8: {  	[sflag:s22] =	ssyncset.done $0x0  }
0x1e9: {  	[sflag:s22] =	ssyncadd.s32 $0xFFFFCE00  }
0x1ea: {  	_ =	sfence.sel $0x180000  }
0x1eb: {  	[bflag:$0x0] =	sbarrier.arrive $0xFFFF  }
0x1ec: {  	_ =	strace $0x90000047  }
0x1ed: {  	s0 =	stileid.u32;
	[bflag:$0x2] =	sbarrier.arrive $0xFFFF  }
0x1ee: {  	p0 =	sne.s32 s0, $0x0;
	s0 =	rddreg [dreg:$0x2]  }
0x1ef: {  	s0 =	sadd.s32 @!p0 $0x100000, s0  }
0x1f0: {  	[sflag:s0] =	ssyncadd.tile.s32 @!p0 $0x1;
	_ =	shalt  }
.Lfunc_end2:
_tile_overlayer_lowered:
.L_overlay_start_2:
0x1f1: {  	(tag) =	ssettag $0x2  }
0x1f2: {  	s0 =	rddreg [dreg:$0x0];
	s2 =	stileid.u32  }
0x1f3: {  	s1 =	rddreg [dreg:$0x1];
	p0 =	sne.s32 s2, $0x0  }
0x1f4: {  	s3 =	rddreg [dreg:$0x2];
	[bflag:$0x3] =	sbarrier.arrive $0xFFFF;
	s2 =	simm.s32 @!p0 $0x1C07  }
0x1f5: {  	[timem:s3], [sflag:s2] =	dma.local @!p0 [hbm:s0], s1  }
0x1f6: {  	s0 =	simm.s32 @!p0 $0x7  }
0x1f7: {  	_ =	swait.ge @!p0 [sflag:s0], s1  }
0x1f8: {  	s1 =	ssub.s32 @!p0 $0x0, s1;
	[sflag:s0] =	ssyncset.done @!p0 $0x0  }
0x1f9: {  	[sflag:s0] =	ssyncadd.s32 @!p0 s1  }
0x1fa: {  	[bflag:$0x3] =	sbarrier.arrive $0xFFFF  }
0x1fb: {  	_ =	shalt  }

// kernel: sparse-core-data-format-call.cloned.1.call-start
scs
called_computation_lowered:
.L_overlay_start_0:
0x0: {  	s2 =	sld [smem:$0x3FD9]  }
0x1: {  	s3 =	sld [smem:$0x3FFE];
	_ =	sdelay $0x1  }
0x2: {  	s1 =	srdreg.scid  }
0x3: {  	s0 =	sand.u32 $0x1, s1  }
0x4: {  	s18 =	sshll.u32 s0, $0xA;
	s2 =	sadd.s32 s3, s2  }
0x5: {  	s2 =	sadd.s32 s2, s18  }
0x6: {  	[smem:$0x3FC6] =	sst s2  }
0x7: {  	_ = 	snop  }
0x8: {  	s2 =	sld [smem:$0x3FD0];
	(tm) =	ssettm $0x1  }
0x9: {  	s19 =	sld [smem:$0x3FFB];
	_ =	sdelay $0x3  }
0xa: {  	_ =	strace s19  }
0xb: {  	s3 =	sld [smem:$0x3FFC];
	_ =	sdelay $0x3  }
0xc: {  	_ =	strace s3  }
0xd: {  	s3 =	sld [smem:$0x3FFD];
	_ =	sdelay $0x3  }
0xe: {  	_ =	strace s3  }
0xf: {  	_ =	strace $0x8FFFFFFF  }
0x10: {  	s20 =	sld [smem:$0x3FDB];
	_ =	sdelay $0x1  }
0x11: {  	s4 =	simm.s32 $_scs_section_size  }
0x12: {  	s5 =	simm.s32 $_size__tile_overlayer_lowered;
	s6 =	simm.s32 $_tile_overlayer_lowered  }
0x13: {  	s23 =	simm.s32 $0x1BFF;
	s22 =	sshll.u32 s6, $0x1;
	s3 =	sadd.s32 s4, s20  }
0x14: {  	s7 =	simm.s32 $0x0;
	s21 =	sshll.u32 s5, $0x1;
	s5 =	sadd.s32 s22, s3  }
0x15: {  	[timem:s7], [sflag:s23] =	dma.local [hbm:s5], s21  }
0x16: {  	_ =	swait.ge [sflag:s23], s21  }
0x17: {  	s4 =	ssub.s32 $0x0, s21;
	[sflag:s23] =	ssyncset.done $0x0  }
0x18: {  	[sflag:s23] =	ssyncadd.s32 s4;
	_ =	sdelay $0x1  }
0x19: {  	s24 =	simm.s32 $0x1B8B  }
0x1a: {  	_ =	swait.ge [sflag:s24], $0x1  }
0x1b: {  	[sflag:s24] =	ssyncset.done $0x0  }
0x1c: {  	s26 =	simm.s32 $0x1B8E;
	s25 =	sld [smem:$0x3FFE];
	[sflag:s24] =	ssyncadd.s32 $0xFFFFFFFF  }
0x1d: {  	s27 =	simm.s32 $execute0_lowered;
	[smem:$0x3FD2] =	sst s26  }
0x1e: {  	s5 =	sshll.u32 s27, $0x1;
	_ =	strace $0x80000049;
	[dreg:$0x1] =	wrdreg $0xFFFFFFFF  }
0x1f: {  	s28 =	simm.s32 $_size_execute0_lowered;
	s3 =	sadd.s32 s3, s5;
	[dreg:$0x0] =	wrdreg $0x0  }
0x20: {  	s5 =	sshll.u32 s28, $0x1;
	[dreg:$0x2] =	wrdreg s3  }
0x21: {  	[dreg:$0x3] =	wrdreg s5  }
0x22: {  	[dreg:$0x4] =	wrdreg $0xC0  }
0x23: {  	_ =	task [dreg:s7], $0x5FFFF  }
0x24: {  	[dreg:$0x1] =	wrdreg $0xFFFFFFFF  }
0x25: {  	[dreg:$0x0] =	wrdreg $0x60  }
0x26: {  	[dreg:$0x2] =	wrdreg s25  }
0x27: {  	[dreg:$0x3] =	wrdreg s2  }
0x28: {  	[dreg:$0x4] =	wrdreg $0x9  }
0x29: {  	_ =	task.clear_ibuf [dreg:s7], $0x5FFFF;
	_ =	strace $0x90000049  }
0x2a: {  	s29 =	simm.s32 $0x9;
	_ =	strace $0x8000004B  }
0x2b: {  	_ =	swait.ge [sflag:s29], $0x1  }
0x2c: {  	[sflag:s29] =	ssyncadd.s32 $0xFFFFFFFF  }
0x2d: {  	_ =	strace $0x9000004B  }
0x2e: {  	_ =	sfence  }
0x2f: {  	s30 =	sld [smem:$0x0];
	_ =	sdelay $0x2  }
0x30: {  	s31 =	sshll.u32 s1, $0xD;
	s1 =	sshrl.u32 s1, $0x2  }
0x31: {  	s3 =	sand.u32 $0x4000, s31;
	s1 =	sadd.s32 s1, s30  }
0x32: {  	s0 =	sor.u32 s3, s0;
	s1 =	sshll.u32 s1, $0x11  }
0x33: {  	s0 =	sor.u32 s1, s0  }
0x34: {  	s0 =	sadd.s32 $0x8F2B, s0  }
0x35: {  	[sflag:s0] =	ssyncadd.remote.s32 $0x1  }
0x36: {  	_ =	sfence.sel $0xFFFF  }
0x37: {  	[dreg:$0x0] =	wrdreg $0xFFFFFFFF;
	(pc) =	sbr.abs _section_cstart, $3  }
0x38: {  	[dreg:$0x1] =	wrdreg $0xFFFFFFFF  }
0x39: {  	_ =	task.clear_ibuf [dreg:s7], $0x2FFFF;
	_ =	strace $0x9FFFFFFF  }
0x3a: {  	(tm) =	ssettm $0x7FFFFFFF  }
0x3b: {  	_ =	shalt  }
tec
execute0_lowered:
.L_overlay_start_1:
0x0: {  	(tag) =	ssettag $0x1  }
0x1: {  	s0 =	srdreg.scid  }
0x2: {  	s1 =	sshll.u32 s0, $0x4  }
0x3: {  	s0 =	stileid.u32;
	s1 =	sand.u32 $0x10, s1  }
0x4: {  	s1 =	sor.u32 s0, s1  }
0x5: {  	s6 =	rddreg [dreg:$0x0];
	s4 =	simm.s32 $0x1;
	s2 =	sshll.u32 s1, $0x7  }
0x6: {  	s7 =	simm.s32 $0x2;
	s12 =	simm.s32 $0x0;
	s1 =	ssub.s32 $0x1000, s2  }
0x7: {  	s8 =	simm.s32 $0x8000;
	s13 =	simm.s32 $0x0;
	s3 =	sand.u32 $0xF80, s1  }
0x8: {  	s9 =	simm.s32 $0x0;
	s5 =	sshrl.u32 s1, $0xC;
	p0 =	sne.s32 s3, $0x0  }
.Ltmp0:
0x9: {  	s1 =	rddreg [dreg:$0x2];
	s4 =	simm.s32 @!p0 $0x0;
	(pc) =	sbr.rel .LBB1_1-.Ltmp0, $4  }
0xa: {  	s11 =	simm.s32 $0x0;
	s3 =	rddreg [dreg:$0x1];
	s5 =	sadd.s32 s4, s5  }
0xb: {  	_ =	strace $0x8000004A;
	s4 =	simm.s32 $0x1;
	s5 =	smul.u32 $0xC8, s5  }
0xc: {  	s6 =	sadd.s32 $0xA00, s6;
	s10 =	smov.u32 s2;
	[sflag:s4] =	ssyncpa.u1 $0x0  }
0xd: {  	p0 =	por $0x0, $0x0;
	[sflag:s7] =	ssyncpa.u1 $0x0;
	s7 =	sor.u32 $0x1, s5  }
.LBB1_4:
0xe: {  	s16 =	sshll.u32 s13, $0x3;
	s17 =	sand.u32 $0x78, s13  }
0xf: {  	s30 =	sand.u32 $0x7E00, s13;
	s12 =	sshll.u32 s12, $0xF;
	s16 =	sand.u32 $0xC00, s16  }
0x10: {  	[tilespmem:s15+$0x810 ss:$0x81] =	vst.msk $0xffff, v2;
	s31 =	sand.u32 $0x7, s13;
	s16 =	sor.u32 s17, s16;
	s17 =	sadd.s32 s3, s30  }
0x11: {  	[tilespmem:s15+$0x1020 ss:$0x81] =	vst.msk $0xffff, v0;
	s13 =	sshll.u32 s31, $0x12;
	s12 =	sadd.s32 s12, s17;
	s16 =	sshrl.u32 s16, $0x3  }
0x12: {  	[tilespmem:s15+$0x0 ss:$0x81] =	vst.msk $0xffff, v1;
	s13 =	sor.u32 $0x400, s13;
	s12 =	sadd.s32 s16, s12  }
0x13: {  	[hbm4b:s12+s13] =	stream.strided.scatter [tilespmem:s14], [sflag:$0x2], $0x2000, s8, s13, $0x20;
	[tilespmem:$0x8080] =	vst v63  }
.LBB1_5:
0x14: {  	s14 =	sadd.s32 $0x1, s9  }
0x15: {  	s12 =	sadd.s32 $0x1000, s10;
	s16 =	smov.u32 s10;
	p2 =	sgt.s32 s14, $0xC7  }
0x16: {  	s16 =	smov.u32 @p2 s12  }
0x17: {  	s14 =	simm.s32 @p2 $0x0;
	p2 =	sgt.s32 s16, $0xFFF  }
0x18: {  	s16 =	smov.u32 @p2 s2;
	p2 =	sne.s32 s11, s7  }
.Ltmp1:
0x19: {  	p1 =	slt.u32 s11, $0x2;
	(pc) =	sbr.rel @!p2 .LBB1_6-.Ltmp1, $4  }
0x1a: {  	s15 =	simm.s32 @!p1 $0x2  }
0x1b: {  	s13 =	smov.u32 s10;
	p0 =	por !p0, !p0;
	_ =	swait.ge @!p1 [sflag:s15], $0x2000  }
0x1c: {  	s12 =	smov.u32 s9;
	[sflag:s15] =	ssyncset.done @!p1 $0x0;
	s9 =	smov.u32 s14  }
0x1d: {  	s11 =	sadd.s32 $0x1, s11;
	[sflag:s15] =	ssyncadd.s32 @!p1 $0xFFFFE000;
	s10 =	smov.u32 s16  }
.LBB1_1:
0x1e: {  	p1 =	sge.u32 s11, s5  }
0x1f: {  	s14 =	sand.u32 @!p1 $0x1FFFFFF, s9  }
0x20: {  	s15 =	smulhi.u32 @!p1 $0x147AE15, s14;
	_ =	sdelay $0x1  }
0x21: {  	s15 =	smul.u32 @!p1 $0xC8, s15  }
0x22: {  	s16 =	sxor.u32 @!p1 $0xFFFFFFFF, s11;
	s17 =	smul.u32 @!p1 $0xC80, s10  }
0x23: {  	s31 =	sadd.s32 $0xFFFFFFFF, s11;
	s16 =	sshll.u32 @!p1 s16, $0xD;
	s14 =	ssub.s32 @!p1 s14, s15  }
0x24: {  	s15 =	sand.u32 @!p1 $0x2000, s16;
	s16 =	sadd.s32 @!p1 s6, s17;
	s14 =	sshll.u32 @!p1 s14, $0x4  }
0x25: {  	s17 =	simm.s32 @!p1 $0x6400;
	s14 =	sadd.s32 @!p1 s14, s16;
	s16 =	simm.s32 @!p1 $0x40  }
0x26: {  	[tilespmem:s15], [sflag:$0x1] =	stream.strided.gather @!p1 [hbm4b:s14+s16], $0x2000, s17, s16, $0x38;
	[tilespmem:$0x8080] =	vst v63  }
0x27: {  	p1 =	sge.u32 s31, s5  }
.Ltmp2:
0x28: {  	_ = 	snop;
	(pc) =	sbr.rel @p1 .LBB1_5-.Ltmp2, $1  }
0x29: {  	_ =	sdelay $0x3  }
0x2a: {  	s14 =	simm.s32 $0x1  }
0x2b: {  	_ =	swait.ge [sflag:s4], $0x2000;
	s14 =	simm.s32 @!p0 $0x0  }
0x2c: {  	[sflag:s4] =	ssyncset.done $0x0;
	s15 =	sshll.u32 s14, $0xD  }
0x2d: {  	[sflag:s4] =	ssyncadd.s32 $0xFFFFE000;
	s18 =	sor.u32 $0x20, s15  }
0x2e: {  	s14 =	smul.u32 $0x8100, s14;
	v3 =	vld [tilespmem:s18+$0x10]  }
0x2f: {  	s30 =	sand.u32 $0x1, s11;
	v2 =	vld [tilespmem:s18+$0xFFFFFFF0]  }
0x30: {  	s15 =	smul.u32 $0x8100, s30;
	s14 =	sshrl.u32 s14, $0x2;
	v0 =	vld [tilespmem:s18+$0x0]  }
0x31: {  	v1 =	vld [tilespmem:s18+$0xFFFFFFE0];
	s16 =	sor.u32 $0x4000, s14  }
0x32: {  	s31 =	sshrl.u32 s15, $0x2;
	s15 =	sadd.s32 $0x0, s16  }
0x33: {  	s17 =	simm.s32 $0x4;
	s18 =	sadd.s32 $0x40, s18;
	s14 =	sor.u32 $0x4000, s31;
	[tilespmem:s15+$0x1830 ss:$0x81] =	vst.msk $0xffff, v3  }
.LBB1_3:
0x34: {  	v3 =	vld [tilespmem:s18+$0x10];
	p1 =	sne.s32 s17, $0x1FC;
	[tilespmem:s15+$0x810 ss:$0x81] =	vst.msk $0xffff, v2;
	s19 =	smov.u32 s17;
	s17 =	sadd.s32 $0x4, s17  }
.Ltmp3:
0x35: {  	v2 =	vld [tilespmem:s18+$0xFFFFFFF0];
	[tilespmem:s15+$0x1020 ss:$0x81] =	vst.msk $0xffff, v0;
	(pc) =	sbr.rel @p1 .LBB1_3-.Ltmp3, $4  }
0x36: {  	v0 =	vld [tilespmem:s18+$0x0];
	[tilespmem:s15+$0x0 ss:$0x81] =	vst.msk $0xffff, v1  }
0x37: {  	s15 =	sshra.s32 s19, $0x2;
	v1 =	vld [tilespmem:s18+$0xFFFFFFE0]  }
0x38: {  	s15 =	sadd.s32 s15, s16  }
0x39: {  	s18 =	sadd.s32 $0x40, s18;
	[tilespmem:s15+$0x1830 ss:$0x81] =	vst.msk $0xffff, v3  }
.Ltmp4:
0x3a: {  	_ = 	snop;
	(pc) =	sbr.rel .LBB1_4-.Ltmp4, $1  }
0x3b: {  	_ =	sdelay $0x3  }
.LBB1_6:
0x3c: {  	_ =	sfence.sel $0x180000  }
0x3d: {  	s2 =	simm.s32 $0x1;
	[bflag:$0x0] =	sbarrier.arrive $0xFFFF  }
0x3e: {  	s31 =	simm.s32 $0x2;
	[sflag:s2] =	ssyncpa.u1 $0x1  }
0x3f: {  	[sflag:s31] =	ssyncpa.u1 $0x1  }
0x40: {  	p0 =	sne.s32 s0, $0x0;
	_ =	strace $0x9000004A  }
0x41: {  	s0 =	sadd.s32 @!p0 $0x100000, s1;
	[bflag:$0x2] =	sbarrier.arrive $0xFFFF  }
0x42: {  	[sflag:s0] =	ssyncadd.tile.s32 @!p0 $0x1;
	_ =	shalt  }
.Lfunc_end1:
_tile_overlayer_lowered:
.L_overlay_start_2:
0x43: {  	(tag) =	ssettag $0x2  }
0x44: {  	s0 =	rddreg [dreg:$0x0];
	s2 =	stileid.u32  }
0x45: {  	s1 =	rddreg [dreg:$0x1];
	p0 =	sne.s32 s2, $0x0  }
0x46: {  	s3 =	rddreg [dreg:$0x2];
	[bflag:$0x3] =	sbarrier.arrive $0xFFFF;
	s2 =	simm.s32 @!p0 $0x1C01  }
0x47: {  	[timem:s3], [sflag:s2] =	dma.local @!p0 [hbm:s0], s1  }
0x48: {  	s0 =	simm.s32 @!p0 $0x1  }
0x49: {  	_ =	swait.ge @!p0 [sflag:s0], s1  }
0x4a: {  	s1 =	ssub.s32 @!p0 $0x0, s1;
	[sflag:s0] =	ssyncset.done @!p0 $0x0  }
0x4b: {  	[sflag:s0] =	ssyncadd.s32 @!p0 s1  }
0x4c: {  	[bflag:$0x3] =	sbarrier.arrive $0xFFFF  }
0x4d: {  	_ =	shalt  }

</sc_bundles>
